<compile_context>
chip_gen: v7x
topology: tpu7x:2x2x1
jax: 0.10.2.dev20260603
libtpu: 0.0.44.dev20260713+nightly
codegen_flags: <defaults>
</compile_context>

<pallas_src>
import functools

import jax
import jax.numpy as jnp
from jax import lax
from jax.experimental import pallas as pl
from jax.experimental.pallas import tpu as pltpu
from jax.experimental.pallas import tpu_sc as plsc

_NC = 2
_NS = 16
_NW = _NC * _NS
_CHUNK = 128



def _make_segment_sum(n, d, e_pad, agg_rows):
    per_w = e_pad // _NW
    n_chunks = per_w // _CHUNK
    rows_per_tile = agg_rows // _NS
    mesh = plsc.VectorSubcoreMesh(core_axis_name="c", subcore_axis_name="s")

    def body(h_hbm, src_hbm, dst_hbm, zero_hbm, out_hbm, agg_sh,
             src0, src1, dst0, dst1, rows0, rows1, sg0, sg1,
             sis0, sis1, sid0, sid1):
        c = lax.axis_index("c")
        s = lax.axis_index("s")
        wid = s * _NC + c
        src_v = (src0, src1)
        dst_v = (dst0, dst1)
        rows_v = (rows0, rows1)
        sg = (sg0, sg1)
        sis = (sis0, sis1)
        sid = (sid0, sid1)
        base = wid * per_w

        def issue_idx(off, b):
            pltpu.async_copy(src_hbm.at[pl.ds(off, _CHUNK)], src_v[b], sis[b])
            pltpu.async_copy(dst_hbm.at[pl.ds(off, _CHUNK)], dst_v[b], sid[b])

        def wait_idx(b):
            pltpu.make_async_copy(src_hbm.at[pl.ds(base, _CHUNK)], src_v[b], sis[b]).wait()
            pltpu.make_async_copy(dst_hbm.at[pl.ds(base, _CHUNK)], dst_v[b], sid[b]).wait()

        def wait_gather(b):
            pltpu.make_async_copy(h_hbm.at[src_v[b]], rows_v[b], sg[b]).wait()

        pltpu.sync_copy(zero_hbm, agg_sh.at[pl.ds(s * rows_per_tile, rows_per_tile)])
        issue_idx(base, 0)
        issue_idx(base + _CHUNK, 1)
        wait_idx(0)
        pltpu.async_copy(h_hbm.at[src_v[0]], rows_v[0], sg[0])
        plsc.subcore_barrier()

        def pair(g, carry):
            for b in (0, 1):
                k = 2 * g + b
                ob = 1 - b
                wait_idx(ob)
                pltpu.async_copy(h_hbm.at[src_v[ob]], rows_v[ob], sg[ob])
                wait_gather(b)
                pltpu.sync_copy(rows_v[b], agg_sh.at[dst_v[b]], add=True)
                issue_idx(base + lax.rem(k + 2, n_chunks) * _CHUNK, b)
            return carry

        lax.fori_loop(0, n_chunks // 2, pair, 0)
        wait_gather(0)
        wait_idx(1)
        plsc.subcore_barrier()
        pltpu.sync_copy(agg_sh.at[pl.ds(s * rows_per_tile, rows_per_tile)],
                        out_hbm.at[c, pl.ds(s * rows_per_tile, rows_per_tile)])

    return pl.kernel(
        body,
        out_type=jax.ShapeDtypeStruct((_NC, agg_rows, d), jnp.float32),
        mesh=mesh,
        scratch_types=[
            pltpu.VMEM_SHARED((agg_rows, d), jnp.float32),
            pltpu.VMEM((_CHUNK,), jnp.int32),
            pltpu.VMEM((_CHUNK,), jnp.int32),
            pltpu.VMEM((_CHUNK,), jnp.int32),
            pltpu.VMEM((_CHUNK,), jnp.int32),
            pltpu.VMEM((_CHUNK, d), jnp.float32),
            pltpu.VMEM((_CHUNK, d), jnp.float32),
            pltpu.SemaphoreType.DMA,
            pltpu.SemaphoreType.DMA,
            pltpu.SemaphoreType.DMA,
            pltpu.SemaphoreType.DMA,
            pltpu.SemaphoreType.DMA,
            pltpu.SemaphoreType.DMA,
        ],
    )



def _bn(x, g, b):
    mu = jnp.mean(x, axis=0, keepdims=True)
    var = jnp.mean((x - mu) ** 2, axis=0, keepdims=True)
    return g * (x - mu) * lax.rsqrt(var + 1e-5) + b


def _dense_body(scale_ref, h_ref, p0_ref, p1_ref, w1_ref, b1_ref, g1_ref,
                be1_ref, w2_ref, b2_ref, g2_ref, be2_ref, bng_ref, bnb_ref,
                out_ref, *, n, final_relu):
    agg = p0_ref[0:n, :] + p1_ref[0:n, :]
    h2 = h_ref[...] * scale_ref[0] + agg
    a = jnp.dot(h2, w1_ref[...], preferred_element_type=jnp.float32) + b1_ref[...]
    a = jnp.maximum(_bn(a, g1_ref[...], be1_ref[...]), 0.0)
    a = jnp.dot(a, w2_ref[...], preferred_element_type=jnp.float32) + b2_ref[...]
    a = jnp.maximum(_bn(a, g2_ref[...], be2_ref[...]), 0.0)
    a = _bn(a, bng_ref[...], bnb_ref[...])
    if final_relu:
        a = jnp.maximum(a, 0.0)
    out_ref[...] = a


def _make_dense(n, d, final_relu):
    vmem = pl.BlockSpec(memory_space=pltpu.VMEM)
    return pl.pallas_call(
        functools.partial(_dense_body, n=n, final_relu=final_relu),
        out_shape=jax.ShapeDtypeStruct((n, d), jnp.float32),
        in_specs=[pl.BlockSpec(memory_space=pltpu.SMEM)] + [vmem] * 13,
        out_specs=vmem,
    )



def kernel(x, edge_index, eps, W1, b1, g1, be1, W2, b2, g2, be2, bn_g, bn_b):
    n, d = x.shape
    e = edge_index.shape[1]
    num_layers = W1.shape[0]

    agg_rows = ((n + _NS - 1) // _NS + 7) // 8 * 8 * _NS
    junk_row = n
    quantum = 2 * _NW * _CHUNK
    e_pad = ((e + quantum - 1) // quantum) * quantum

    src = edge_index[0]
    dst = edge_index[1]
    per_w_real = e // _NW
    per_w = e_pad // _NW
    pad_w = per_w - per_w_real
    n_junk = agg_rows - n
    pad_src = jnp.broadcast_to((jnp.arange(pad_w, dtype=jnp.int32) * 41) % n,
                               (_NW, pad_w))
    pad_dst = jnp.broadcast_to(junk_row + (jnp.arange(pad_w, dtype=jnp.int32) % n_junk),
                               (_NW, pad_w))
    src_p = jnp.concatenate([src.reshape(_NW, per_w_real), pad_src], axis=1).reshape(-1)
    dst_p = jnp.concatenate([dst.reshape(_NW, per_w_real), pad_dst], axis=1).reshape(-1)
    zero_block = jnp.zeros((agg_rows // _NS, d), jnp.float32)

    seg_sum = _make_segment_sum(n, d, e_pad, agg_rows)

    h = x
    for i in range(num_layers):
        parts = seg_sum(h, src_p, dst_p, zero_block)
        scale = (1.0 + eps[i]).reshape(1)
        dense = _make_dense(n, d, final_relu=(i < num_layers - 1))
        h = dense(scale, h, parts[0], parts[1],
                  W1[i], b1[i].reshape(1, d), g1[i].reshape(1, d),
                  be1[i].reshape(1, d), W2[i], b2[i].reshape(1, d),
                  g2[i].reshape(1, d), be2[i].reshape(1, d),
                  bn_g[i].reshape(1, d), bn_b[i].reshape(1, d))
    return h

# --- scband reference (transcript-rebuilt; emitter-appended) ---
"""Pipeline reference for scband-one-gnn-37177236914930 (READ-ONLY COPY).

The authoritative reference and input builder live on the scoring server;
editing this copy changes nothing except your own understanding.
"""

import jax, jax.numpy as jnp
import numpy as np

N = 10000
D = 128
E = 320000
L = 3


def setup_inputs(seed: int = 0) -> dict:
    key = jax.random.key(seed)
    ks = jax.random.split(key, 8)
    x = jax.random.normal(ks[0], (N, D), dtype=jnp.float32)
    edge_index = jax.random.randint(ks[1], (2, E), 0, N, dtype=jnp.int32)
    W1 = jax.random.normal(ks[2], (L, D, D), dtype=jnp.float32) * 0.05
    b1 = jnp.zeros((L, D), dtype=jnp.float32)
    g1 = jnp.ones((L, D), dtype=jnp.float32)
    be1 = jnp.zeros((L, D), dtype=jnp.float32)
    W2 = jax.random.normal(ks[3], (L, D, D), dtype=jnp.float32) * 0.05
    b2 = jnp.zeros((L, D), dtype=jnp.float32)
    g2 = jnp.ones((L, D), dtype=jnp.float32)
    be2 = jnp.zeros((L, D), dtype=jnp.float32)
    eps = jnp.zeros((L,), dtype=jnp.float32)
    bn_g = jnp.ones((L, D), dtype=jnp.float32)
    bn_b = jnp.zeros((L, D), dtype=jnp.float32)
    return {"x": x, "edge_index": edge_index, "eps": eps, "W1": W1, "b1": b1,
            "g1": g1, "be1": be1, "W2": W2, "b2": b2, "g2": g2, "be2": be2,
            "bn_g": bn_g, "bn_b": bn_b}


def _bn(h, g, b):
    mu = jnp.mean(h, axis=0)
    var = jnp.var(h, axis=0)
    return g * (h - mu) / jnp.sqrt(var + 1e-5) + b


def reference(x, edge_index, eps, W1, b1, g1, be1, W2, b2, g2, be2, bn_g, bn_b):
    src = edge_index[0]
    dst = edge_index[1]
    h = x
    for i in range(L):
        # GIN message passing: sum-aggregate source features into destinations
        agg = jax.ops.segment_sum(h[src], dst, num_segments=N)
        h2 = (1.0 + eps[i]) * h + agg
        # 2-layer MLP with BatchNorm + ReLU (training-style batch stats)
        h2 = jax.nn.relu(_bn(h2 @ W1[i] + b1[i], g1[i], be1[i]))
        h2 = jax.nn.relu(_bn(h2 @ W2[i] + b2[i], g2[i], be2[i]))
        # outer per-layer BatchNorm
        h2 = _bn(h2, bn_g[i], bn_b[i])
        if i < L - 1:
            h2 = jax.nn.relu(h2)
            # dropout is identity in eval mode
        h = h2
    return h

if __name__ == "__main__":
    import jax
    _d = setup_inputs()
    print(jax.jit(kernel)(*tuple(_d.values())))

</pallas_src>

<mosaic_0001>
#map = affine_map<(d0, d1) -> (0, 0)>
#map1 = affine_map<(d0, d1) -> (0)>
#map2 = affine_map<(d0, d1) -> (0, 0, 0)>
module attributes {stable_mosaic.version = 14 : i64} {
  func.func @body(%arg0: i32, %arg1: i32, %arg2: memref<10000x128xf32, #tpu.memory_space<hbm>>, %arg3: memref<327680xi32, #tpu.memory_space<hbm>>, %arg4: memref<327680xi32, #tpu.memory_space<hbm>>, %arg5: memref<632x128xf32, #tpu.memory_space<hbm>>, %arg6: memref<2x10112x128xf32, #tpu.memory_space<hbm>>, %arg7: memref<10112x128xf32, #tpu.memory_space<vmem_shared>>, %arg8: memref<128xi32, #tpu.memory_space<vmem>>, %arg9: memref<128xi32, #tpu.memory_space<vmem>>, %arg10: memref<128xi32, #tpu.memory_space<vmem>>, %arg11: memref<128xi32, #tpu.memory_space<vmem>>, %arg12: memref<128x128xf32, #tpu.memory_space<vmem>>, %arg13: memref<128x128xf32, #tpu.memory_space<vmem>>, %arg14: memref<!tpu.dma_semaphore, #tpu.memory_space<semaphore_mem>>, %arg15: memref<!tpu.dma_semaphore, #tpu.memory_space<semaphore_mem>>, %arg16: memref<!tpu.dma_semaphore, #tpu.memory_space<semaphore_mem>>, %arg17: memref<!tpu.dma_semaphore, #tpu.memory_space<semaphore_mem>>, %arg18: memref<!tpu.dma_semaphore, #tpu.memory_space<semaphore_mem>>, %arg19: memref<!tpu.dma_semaphore, #tpu.memory_space<semaphore_mem>>) attributes {dimension_semantics = [#tpu.dimension_semantics<core_parallel>, #tpu.dimension_semantics<subcore_parallel>], iteration_bounds = array<i64: 2, 16>, scalar_prefetch = 0 : i64, scratch_operands = 13 : i64, tpu.core_type = #tpu.core_type<sc_vector_subcore>, window_params = [{transform_indices = #map}, {transform_indices = #map1}, {transform_indices = #map1}, {transform_indices = #map}, {transform_indices = #map2}]} {
    %mul3A = arith.constant 2 : i32
    %mul3A_0 = arith.muli %arg1, %mul3A : i32
    %add3A = arith.addi %mul3A_0, %arg0 : i32
    %mul3A_1 = arith.constant 10240 : i32
    %mul3A_2 = arith.muli %add3A, %mul3A_1 : i32
    %mul3A_3 = arith.constant 632 : i32
    %mul3A_4 = arith.muli %arg1, %mul3A_3 : i32
    "tpu.region"() ({
      %run_scoped3A = tpu.sem_alloc : memref<!tpu.dma_semaphore, #tpu.memory_space<semaphore_mem>>
      %dma_start3A_37 = arith.constant 0 : i32
      %dma_start3A_38 = tpu.memref_slice %arg7[%mul3A_4, %dma_start3A_37] : memref<10112x128xf32, #tpu.memory_space<vmem_shared>> -> memref<632x128xf32, #tpu.memory_space<vmem_shared>>
      tpu.enqueue_dma source(%arg5 : memref<632x128xf32, #tpu.memory_space<hbm>>) target(%dma_start3A_38 : memref<632x128xf32, #tpu.memory_space<vmem_shared>>) target_semaphore(%run_scoped3A : memref<!tpu.dma_semaphore, #tpu.memory_space<semaphore_mem>>)
      %dma_wait3A_39 = arith.constant 0 : i32
      %dma_wait3A_40 = tpu.memref_slice %arg7[%mul3A_4, %dma_wait3A_39] : memref<10112x128xf32, #tpu.memory_space<vmem_shared>> -> memref<632x128xf32, #tpu.memory_space<vmem_shared>>
      tpu.wait_dma2 semaphore(%run_scoped3A : memref<!tpu.dma_semaphore, #tpu.memory_space<semaphore_mem>>) src(%arg5 : memref<632x128xf32, #tpu.memory_space<hbm>>) dst(%dma_wait3A_40 : memref<632x128xf32, #tpu.memory_space<vmem_shared>>)
      tpu.yield
    }) : () -> ()
    %dma_start3A = tpu.memref_slice %arg3[%mul3A_2] : memref<327680xi32, #tpu.memory_space<hbm>> -> memref<128xi32, #tpu.memory_space<hbm>>
    %dma_start3A_5 = tpu.memref_slice %arg3[%mul3A_2] : memref<327680xi32, #tpu.memory_space<hbm>> -> memref<128xi32, #tpu.memory_space<hbm>>
    tpu.enqueue_dma source(%dma_start3A_5 : memref<128xi32, #tpu.memory_space<hbm>>) target(%arg8 : memref<128xi32, #tpu.memory_space<vmem>>) target_semaphore(%arg16 : memref<!tpu.dma_semaphore, #tpu.memory_space<semaphore_mem>>)
    %dma_start3A_6 = tpu.memref_slice %arg4[%mul3A_2] : memref<327680xi32, #tpu.memory_space<hbm>> -> memref<128xi32, #tpu.memory_space<hbm>>
    %dma_start3A_7 = tpu.memref_slice %arg4[%mul3A_2] : memref<327680xi32, #tpu.memory_space<hbm>> -> memref<128xi32, #tpu.memory_space<hbm>>
    tpu.enqueue_dma source(%dma_start3A_7 : memref<128xi32, #tpu.memory_space<hbm>>) target(%arg10 : memref<128xi32, #tpu.memory_space<vmem>>) target_semaphore(%arg18 : memref<!tpu.dma_semaphore, #tpu.memory_space<semaphore_mem>>)
    %add3A_8 = arith.constant 128 : i32
    %add3A_9 = arith.addi %mul3A_2, %add3A_8 : i32
    %dma_start3A_10 = tpu.memref_slice %arg3[%add3A_9] : memref<327680xi32, #tpu.memory_space<hbm>> -> memref<128xi32, #tpu.memory_space<hbm>>
    %dma_start3A_11 = tpu.memref_slice %arg3[%add3A_9] : memref<327680xi32, #tpu.memory_space<hbm>> -> memref<128xi32, #tpu.memory_space<hbm>>
    tpu.enqueue_dma source(%dma_start3A_11 : memref<128xi32, #tpu.memory_space<hbm>>) target(%arg9 : memref<128xi32, #tpu.memory_space<vmem>>) target_semaphore(%arg17 : memref<!tpu.dma_semaphore, #tpu.memory_space<semaphore_mem>>)
    %dma_start3A_12 = tpu.memref_slice %arg4[%add3A_9] : memref<327680xi32, #tpu.memory_space<hbm>> -> memref<128xi32, #tpu.memory_space<hbm>>
    %dma_start3A_13 = tpu.memref_slice %arg4[%add3A_9] : memref<327680xi32, #tpu.memory_space<hbm>> -> memref<128xi32, #tpu.memory_space<hbm>>
    tpu.enqueue_dma source(%dma_start3A_13 : memref<128xi32, #tpu.memory_space<hbm>>) target(%arg11 : memref<128xi32, #tpu.memory_space<vmem>>) target_semaphore(%arg19 : memref<!tpu.dma_semaphore, #tpu.memory_space<semaphore_mem>>)
    %dma_wait3A = tpu.memref_slice %arg3[%mul3A_2] : memref<327680xi32, #tpu.memory_space<hbm>> -> memref<128xi32, #tpu.memory_space<hbm>>
    %dma_wait3A_14 = tpu.memref_slice %arg3[%mul3A_2] : memref<327680xi32, #tpu.memory_space<hbm>> -> memref<128xi32, #tpu.memory_space<hbm>>
    tpu.wait_dma2 semaphore(%arg16 : memref<!tpu.dma_semaphore, #tpu.memory_space<semaphore_mem>>) src(%dma_wait3A_14 : memref<128xi32, #tpu.memory_space<hbm>>) dst(%arg8 : memref<128xi32, #tpu.memory_space<vmem>>)
    %dma_wait3A_15 = tpu.memref_slice %arg4[%mul3A_2] : memref<327680xi32, #tpu.memory_space<hbm>> -> memref<128xi32, #tpu.memory_space<hbm>>
    %dma_wait3A_16 = tpu.memref_slice %arg4[%mul3A_2] : memref<327680xi32, #tpu.memory_space<hbm>> -> memref<128xi32, #tpu.memory_space<hbm>>
    tpu.wait_dma2 semaphore(%arg18 : memref<!tpu.dma_semaphore, #tpu.memory_space<semaphore_mem>>) src(%dma_wait3A_16 : memref<128xi32, #tpu.memory_space<hbm>>) dst(%arg10 : memref<128xi32, #tpu.memory_space<vmem>>)
    %dma_start3A_17 = arith.constant 0 : i32
    %dma_start3A_18 = arith.constant 0 : i32
    %dma_start3A_19 = tpu.memref_slice %arg2[%dma_start3A_17, %dma_start3A_18] : memref<10000x128xf32, #tpu.memory_space<hbm>> -> memref<10000x128xf32, #tpu.memory_space<hbm>>
    tpu.enqueue_indirect_dma source(%dma_start3A_19 : memref<10000x128xf32, #tpu.memory_space<hbm>>) target(%arg12 : memref<128x128xf32, #tpu.memory_space<vmem>>) offsets(%arg8 : memref<128xi32, #tpu.memory_space<vmem>>) semaphore(%arg14 : memref<!tpu.dma_semaphore, #tpu.memory_space<semaphore_mem>>)
    %barrier3A = arith.constant 0 : index
    tpu.barrier barrier_id(%barrier3A)
    %scan3A = arith.constant 0 : i32
    %scan3A_20 = arith.constant 0 : i32
    %scan3A_21 = arith.constant 40 : i32
    %scan3A_22 = arith.addi %scan3A_20, %scan3A_21 : i32
    %scan3A_23 = arith.constant 1 : i32
    scf.for %scan3A_37 = %scan3A_20 to %scan3A_22 step %scan3A_23  : i32 {
      %mul3A_38 = arith.constant 2 : i32
      %mul3A_39 = arith.muli %mul3A_38, %scan3A_37 : i32
      %add3A_40 = arith.constant 0 : i32
      %add3A_41 = arith.addi %mul3A_39, %add3A_40 : i32
      %dma_wait3A_42 = tpu.memref_slice %arg3[%mul3A_2] : memref<327680xi32, #tpu.memory_space<hbm>> -> memref<128xi32, #tpu.memory_space<hbm>>
      %dma_wait3A_43 = tpu.memref_slice %arg3[%mul3A_2] : memref<327680xi32, #tpu.memory_space<hbm>> -> memref<128xi32, #tpu.memory_space<hbm>>
      tpu.wait_dma2 semaphore(%arg17 : memref<!tpu.dma_semaphore, #tpu.memory_space<semaphore_mem>>) src(%dma_wait3A_43 : memref<128xi32, #tpu.memory_space<hbm>>) dst(%arg9 : memref<128xi32, #tpu.memory_space<vmem>>)
      %dma_wait3A_44 = tpu.memref_slice %arg4[%mul3A_2] : memref<327680xi32, #tpu.memory_space<hbm>> -> memref<128xi32, #tpu.memory_space<hbm>>
      %dma_wait3A_45 = tpu.memref_slice %arg4[%mul3A_2] : memref<327680xi32, #tpu.memory_space<hbm>> -> memref<128xi32, #tpu.memory_space<hbm>>
      tpu.wait_dma2 semaphore(%arg19 : memref<!tpu.dma_semaphore, #tpu.memory_space<semaphore_mem>>) src(%dma_wait3A_45 : memref<128xi32, #tpu.memory_space<hbm>>) dst(%arg11 : memref<128xi32, #tpu.memory_space<vmem>>)
      %dma_start3A_46 = arith.constant 0 : i32
      %dma_start3A_47 = arith.constant 0 : i32
      %dma_start3A_48 = tpu.memref_slice %arg2[%dma_start3A_46, %dma_start3A_47] : memref<10000x128xf32, #tpu.memory_space<hbm>> -> memref<10000x128xf32, #tpu.memory_space<hbm>>
      tpu.enqueue_indirect_dma source(%dma_start3A_48 : memref<10000x128xf32, #tpu.memory_space<hbm>>) target(%arg13 : memref<128x128xf32, #tpu.memory_space<vmem>>) offsets(%arg9 : memref<128xi32, #tpu.memory_space<vmem>>) semaphore(%arg15 : memref<!tpu.dma_semaphore, #tpu.memory_space<semaphore_mem>>)
      %dma_wait3A_49 = arith.constant 0 : i32
      %dma_wait3A_50 = arith.constant 0 : i32
      %dma_wait3A_51 = tpu.memref_slice %arg2[%dma_wait3A_49, %dma_wait3A_50] : memref<10000x128xf32, #tpu.memory_space<hbm>> -> memref<10000x128xf32, #tpu.memory_space<hbm>>
      tpu.wait_indirect_dma semaphore(%arg14 : memref<!tpu.dma_semaphore, #tpu.memory_space<semaphore_mem>>) src(%dma_wait3A_51 : memref<10000x128xf32, #tpu.memory_space<hbm>>) dst(%arg12 : memref<128x128xf32, #tpu.memory_space<vmem>>)
      "tpu.region"() ({
        %run_scoped3A = tpu.sem_alloc : memref<!tpu.dma_semaphore, #tpu.memory_space<semaphore_mem>>
        %dma_start3A_87 = arith.constant 0 : i32
        %dma_start3A_88 = arith.constant 0 : i32
        %dma_start3A_89 = tpu.memref_slice %arg7[%dma_start3A_87, %dma_start3A_88] : memref<10112x128xf32, #tpu.memory_space<vmem_shared>> -> memref<10112x128xf32, #tpu.memory_space<vmem_shared>>
        tpu.enqueue_indirect_dma source(%arg12 : memref<128x128xf32, #tpu.memory_space<vmem>>) target(%dma_start3A_89 : memref<10112x128xf32, #tpu.memory_space<vmem_shared>>) offsets(%arg10 : memref<128xi32, #tpu.memory_space<vmem>>) semaphore(%run_scoped3A : memref<!tpu.dma_semaphore, #tpu.memory_space<semaphore_mem>>) {add = true}
        %dma_wait3A_90 = arith.constant 0 : i32
        %dma_wait3A_91 = arith.constant 0 : i32
        %dma_wait3A_92 = tpu.memref_slice %arg7[%dma_wait3A_90, %dma_wait3A_91] : memref<10112x128xf32, #tpu.memory_space<vmem_shared>> -> memref<10112x128xf32, #tpu.memory_space<vmem_shared>>
        tpu.wait_indirect_dma semaphore(%run_scoped3A : memref<!tpu.dma_semaphore, #tpu.memory_space<semaphore_mem>>) src(%arg12 : memref<128x128xf32, #tpu.memory_space<vmem>>) dst(%dma_wait3A_92 : memref<10112x128xf32, #tpu.memory_space<vmem_shared>>)
        tpu.yield
      }) : () -> ()
      %add3A_52 = arith.constant 2 : i32
      %add3A_53 = arith.addi %add3A_41, %add3A_52 : i32
      %rem3A = arith.constant 80 : i32
      %rem3A_54 = arith.remsi %add3A_53, %rem3A : i32
      %mul3A_55 = arith.constant 128 : i32
      %mul3A_56 = arith.muli %rem3A_54, %mul3A_55 : i32
      %add3A_57 = arith.addi %mul3A_2, %mul3A_56 : i32
      %dma_start3A_58 = tpu.memref_slice %arg3[%add3A_57] : memref<327680xi32, #tpu.memory_space<hbm>> -> memref<128xi32, #tpu.memory_space<hbm>>
      %dma_start3A_59 = tpu.memref_slice %arg3[%add3A_57] : memref<327680xi32, #tpu.memory_space<hbm>> -> memref<128xi32, #tpu.memory_space<hbm>>
      tpu.enqueue_dma source(%dma_start3A_59 : memref<128xi32, #tpu.memory_space<hbm>>) target(%arg8 : memref<128xi32, #tpu.memory_space<vmem>>) target_semaphore(%arg16 : memref<!tpu.dma_semaphore, #tpu.memory_space<semaphore_mem>>)
      %dma_start3A_60 = tpu.memref_slice %arg4[%add3A_57] : memref<327680xi32, #tpu.memory_space<hbm>> -> memref<128xi32, #tpu.memory_space<hbm>>
      %dma_start3A_61 = tpu.memref_slice %arg4[%add3A_57] : memref<327680xi32, #tpu.memory_space<hbm>> -> memref<128xi32, #tpu.memory_space<hbm>>
      tpu.enqueue_dma source(%dma_start3A_61 : memref<128xi32, #tpu.memory_space<hbm>>) target(%arg10 : memref<128xi32, #tpu.memory_space<vmem>>) target_semaphore(%arg18 : memref<!tpu.dma_semaphore, #tpu.memory_space<semaphore_mem>>)
      %mul3A_62 = arith.constant 2 : i32
      %mul3A_63 = arith.muli %mul3A_62, %scan3A_37 : i32
      %add3A_64 = arith.constant 1 : i32
      %add3A_65 = arith.addi %mul3A_63, %add3A_64 : i32
      %dma_wait3A_66 = tpu.memref_slice %arg3[%mul3A_2] : memref<327680xi32, #tpu.memory_space<hbm>> -> memref<128xi32, #tpu.memory_space<hbm>>
      %dma_wait3A_67 = tpu.memref_slice %arg3[%mul3A_2] : memref<327680xi32, #tpu.memory_space<hbm>> -> memref<128xi32, #tpu.memory_space<hbm>>
      tpu.wait_dma2 semaphore(%arg16 : memref<!tpu.dma_semaphore, #tpu.memory_space<semaphore_mem>>) src(%dma_wait3A_67 : memref<128xi32, #tpu.memory_space<hbm>>) dst(%arg8 : memref<128xi32, #tpu.memory_space<vmem>>)
      %dma_wait3A_68 = tpu.memref_slice %arg4[%mul3A_2] : memref<327680xi32, #tpu.memory_space<hbm>> -> memref<128xi32, #tpu.memory_space<hbm>>
      %dma_wait3A_69 = tpu.memref_slice %arg4[%mul3A_2] : memref<327680xi32, #tpu.memory_space<hbm>> -> memref<128xi32, #tpu.memory_space<hbm>>
      tpu.wait_dma2 semaphore(%arg18 : memref<!tpu.dma_semaphore, #tpu.memory_space<semaphore_mem>>) src(%dma_wait3A_69 : memref<128xi32, #tpu.memory_space<hbm>>) dst(%arg10 : memref<128xi32, #tpu.memory_space<vmem>>)
      %dma_start3A_70 = arith.constant 0 : i32
      %dma_start3A_71 = arith.constant 0 : i32
      %dma_start3A_72 = tpu.memref_slice %arg2[%dma_start3A_70, %dma_start3A_71] : memref<10000x128xf32, #tpu.memory_space<hbm>> -> memref<10000x128xf32, #tpu.memory_space<hbm>>
      tpu.enqueue_indirect_dma source(%dma_start3A_72 : memref<10000x128xf32, #tpu.memory_space<hbm>>) target(%arg12 : memref<128x128xf32, #tpu.memory_space<vmem>>) offsets(%arg8 : memref<128xi32, #tpu.memory_space<vmem>>) semaphore(%arg14 : memref<!tpu.dma_semaphore, #tpu.memory_space<semaphore_mem>>)
      %dma_wait3A_73 = arith.constant 0 : i32
      %dma_wait3A_74 = arith.constant 0 : i32
      %dma_wait3A_75 = tpu.memref_slice %arg2[%dma_wait3A_73, %dma_wait3A_74] : memref<10000x128xf32, #tpu.memory_space<hbm>> -> memref<10000x128xf32, #tpu.memory_space<hbm>>
      tpu.wait_indirect_dma semaphore(%arg15 : memref<!tpu.dma_semaphore, #tpu.memory_space<semaphore_mem>>) src(%dma_wait3A_75 : memref<10000x128xf32, #tpu.memory_space<hbm>>) dst(%arg13 : memref<128x128xf32, #tpu.memory_space<vmem>>)
      "tpu.region"() ({
        %run_scoped3A = tpu.sem_alloc : memref<!tpu.dma_semaphore, #tpu.memory_space<semaphore_mem>>
        %dma_start3A_87 = arith.constant 0 : i32
        %dma_start3A_88 = arith.constant 0 : i32
        %dma_start3A_89 = tpu.memref_slice %arg7[%dma_start3A_87, %dma_start3A_88] : memref<10112x128xf32, #tpu.memory_space<vmem_shared>> -> memref<10112x128xf32, #tpu.memory_space<vmem_shared>>
        tpu.enqueue_indirect_dma source(%arg13 : memref<128x128xf32, #tpu.memory_space<vmem>>) target(%dma_start3A_89 : memref<10112x128xf32, #tpu.memory_space<vmem_shared>>) offsets(%arg11 : memref<128xi32, #tpu.memory_space<vmem>>) semaphore(%run_scoped3A : memref<!tpu.dma_semaphore, #tpu.memory_space<semaphore_mem>>) {add = true}
        %dma_wait3A_90 = arith.constant 0 : i32
        %dma_wait3A_91 = arith.constant 0 : i32
        %dma_wait3A_92 = tpu.memref_slice %arg7[%dma_wait3A_90, %dma_wait3A_91] : memref<10112x128xf32, #tpu.memory_space<vmem_shared>> -> memref<10112x128xf32, #tpu.memory_space<vmem_shared>>
        tpu.wait_indirect_dma semaphore(%run_scoped3A : memref<!tpu.dma_semaphore, #tpu.memory_space<semaphore_mem>>) src(%arg13 : memref<128x128xf32, #tpu.memory_space<vmem>>) dst(%dma_wait3A_92 : memref<10112x128xf32, #tpu.memory_space<vmem_shared>>)
        tpu.yield
      }) : () -> ()
      %add3A_76 = arith.constant 2 : i32
      %add3A_77 = arith.addi %add3A_65, %add3A_76 : i32
      %rem3A_78 = arith.constant 80 : i32
      %rem3A_79 = arith.remsi %add3A_77, %rem3A_78 : i32
      %mul3A_80 = arith.constant 128 : i32
      %mul3A_81 = arith.muli %rem3A_79, %mul3A_80 : i32
      %add3A_82 = arith.addi %mul3A_2, %mul3A_81 : i32
      %dma_start3A_83 = tpu.memref_slice %arg3[%add3A_82] : memref<327680xi32, #tpu.memory_space<hbm>> -> memref<128xi32, #tpu.memory_space<hbm>>
      %dma_start3A_84 = tpu.memref_slice %arg3[%add3A_82] : memref<327680xi32, #tpu.memory_space<hbm>> -> memref<128xi32, #tpu.memory_space<hbm>>
      tpu.enqueue_dma source(%dma_start3A_84 : memref<128xi32, #tpu.memory_space<hbm>>) target(%arg9 : memref<128xi32, #tpu.memory_space<vmem>>) target_semaphore(%arg17 : memref<!tpu.dma_semaphore, #tpu.memory_space<semaphore_mem>>)
      %dma_start3A_85 = tpu.memref_slice %arg4[%add3A_82] : memref<327680xi32, #tpu.memory_space<hbm>> -> memref<128xi32, #tpu.memory_space<hbm>>
      %dma_start3A_86 = tpu.memref_slice %arg4[%add3A_82] : memref<327680xi32, #tpu.memory_space<hbm>> -> memref<128xi32, #tpu.memory_space<hbm>>
      tpu.enqueue_dma source(%dma_start3A_86 : memref<128xi32, #tpu.memory_space<hbm>>) target(%arg11 : memref<128xi32, #tpu.memory_space<vmem>>) target_semaphore(%arg19 : memref<!tpu.dma_semaphore, #tpu.memory_space<semaphore_mem>>)
    }
    %scan3A_24 = arith.constant 40 : i32
    %dma_wait3A_25 = arith.constant 0 : i32
    %dma_wait3A_26 = arith.constant 0 : i32
    %dma_wait3A_27 = tpu.memref_slice %arg2[%dma_wait3A_25, %dma_wait3A_26] : memref<10000x128xf32, #tpu.memory_space<hbm>> -> memref<10000x128xf32, #tpu.memory_space<hbm>>
    tpu.wait_indirect_dma semaphore(%arg14 : memref<!tpu.dma_semaphore, #tpu.memory_space<semaphore_mem>>) src(%dma_wait3A_27 : memref<10000x128xf32, #tpu.memory_space<hbm>>) dst(%arg12 : memref<128x128xf32, #tpu.memory_space<vmem>>)
    %dma_wait3A_28 = tpu.memref_slice %arg3[%mul3A_2] : memref<327680xi32, #tpu.memory_space<hbm>> -> memref<128xi32, #tpu.memory_space<hbm>>
    %dma_wait3A_29 = tpu.memref_slice %arg3[%mul3A_2] : memref<327680xi32, #tpu.memory_space<hbm>> -> memref<128xi32, #tpu.memory_space<hbm>>
    tpu.wait_dma2 semaphore(%arg17 : memref<!tpu.dma_semaphore, #tpu.memory_space<semaphore_mem>>) src(%dma_wait3A_29 : memref<128xi32, #tpu.memory_space<hbm>>) dst(%arg9 : memref<128xi32, #tpu.memory_space<vmem>>)
    %dma_wait3A_30 = tpu.memref_slice %arg4[%mul3A_2] : memref<327680xi32, #tpu.memory_space<hbm>> -> memref<128xi32, #tpu.memory_space<hbm>>
    %dma_wait3A_31 = tpu.memref_slice %arg4[%mul3A_2] : memref<327680xi32, #tpu.memory_space<hbm>> -> memref<128xi32, #tpu.memory_space<hbm>>
    tpu.wait_dma2 semaphore(%arg19 : memref<!tpu.dma_semaphore, #tpu.memory_space<semaphore_mem>>) src(%dma_wait3A_31 : memref<128xi32, #tpu.memory_space<hbm>>) dst(%arg11 : memref<128xi32, #tpu.memory_space<vmem>>)
    %barrier3A_32 = arith.constant 0 : index
    tpu.barrier barrier_id(%barrier3A_32)
    %mul3A_33 = arith.constant 632 : i32
    %mul3A_34 = arith.muli %arg1, %mul3A_33 : i32
    %mul3A_35 = arith.constant 632 : i32
    %mul3A_36 = arith.muli %arg1, %mul3A_35 : i32
    "tpu.region"() ({
      %run_scoped3A = tpu.sem_alloc : memref<!tpu.dma_semaphore, #tpu.memory_space<semaphore_mem>>
      %dma_start3A_37 = arith.constant 0 : i32
      %dma_start3A_38 = tpu.memref_slice %arg6[%arg0, %mul3A_36, %dma_start3A_37] : memref<2x10112x128xf32, #tpu.memory_space<hbm>> -> memref<1x632x128xf32, #tpu.memory_space<hbm>>
      %dma_start3A_39 = tpu.memref_squeeze %dma_start3A_38 : memref<1x632x128xf32, #tpu.memory_space<hbm>> -> memref<632x128xf32, #tpu.memory_space<hbm>>
      %dma_start3A_40 = arith.constant 0 : i32
      %dma_start3A_41 = tpu.memref_slice %arg7[%mul3A_34, %dma_start3A_40] : memref<10112x128xf32, #tpu.memory_space<vmem_shared>> -> memref<632x128xf32, #tpu.memory_space<vmem_shared>>
      tpu.enqueue_dma source(%dma_start3A_41 : memref<632x128xf32, #tpu.memory_space<vmem_shared>>) target(%dma_start3A_39 : memref<632x128xf32, #tpu.memory_space<hbm>>) target_semaphore(%run_scoped3A : memref<!tpu.dma_semaphore, #tpu.memory_space<semaphore_mem>>)
      %dma_wait3A_42 = arith.constant 0 : i32
      %dma_wait3A_43 = tpu.memref_slice %arg6[%arg0, %mul3A_36, %dma_wait3A_42] : memref<2x10112x128xf32, #tpu.memory_space<hbm>> -> memref<1x632x128xf32, #tpu.memory_space<hbm>>
      %dma_wait3A_44 = tpu.memref_squeeze %dma_wait3A_43 : memref<1x632x128xf32, #tpu.memory_space<hbm>> -> memref<632x128xf32, #tpu.memory_space<hbm>>
      %dma_wait3A_45 = arith.constant 0 : i32
      %dma_wait3A_46 = tpu.memref_slice %arg7[%mul3A_34, %dma_wait3A_45] : memref<10112x128xf32, #tpu.memory_space<vmem_shared>> -> memref<632x128xf32, #tpu.memory_space<vmem_shared>>
      tpu.wait_dma2 semaphore(%run_scoped3A : memref<!tpu.dma_semaphore, #tpu.memory_space<semaphore_mem>>) src(%dma_wait3A_46 : memref<632x128xf32, #tpu.memory_space<vmem_shared>>) dst(%dma_wait3A_44 : memref<632x128xf32, #tpu.memory_space<hbm>>)
      tpu.yield
    }) : () -> ()
    return
  }
}

#map = affine_map<(d0, d1) -> (0, 0)>
#map1 = affine_map<(d0, d1) -> (0)>
#map2 = affine_map<(d0, d1) -> (0, 0, 0)>
module attributes {stable_mosaic.version = 14 : i64} {
  func.func @body(%arg0: i32, %arg1: i32, %arg2: memref<10000x128xf32, #tpu.memory_space<hbm>>, %arg3: memref<327680xi32, #tpu.memory_space<hbm>>, %arg4: memref<327680xi32, #tpu.memory_space<hbm>>, %arg5: memref<632x128xf32, #tpu.memory_space<hbm>>, %arg6: memref<2x10112x128xf32, #tpu.memory_space<hbm>>, %arg7: memref<10112x128xf32, #tpu.memory_space<vmem_shared>>, %arg8: memref<128xi32, #tpu.memory_space<vmem>>, %arg9: memref<128xi32, #tpu.memory_space<vmem>>, %arg10: memref<128xi32, #tpu.memory_space<vmem>>, %arg11: memref<128xi32, #tpu.memory_space<vmem>>, %arg12: memref<128x128xf32, #tpu.memory_space<vmem>>, %arg13: memref<128x128xf32, #tpu.memory_space<vmem>>, %arg14: memref<!tpu.dma_semaphore, #tpu.memory_space<semaphore_mem>>, %arg15: memref<!tpu.dma_semaphore, #tpu.memory_space<semaphore_mem>>, %arg16: memref<!tpu.dma_semaphore, #tpu.memory_space<semaphore_mem>>, %arg17: memref<!tpu.dma_semaphore, #tpu.memory_space<semaphore_mem>>, %arg18: memref<!tpu.dma_semaphore, #tpu.memory_space<semaphore_mem>>, %arg19: memref<!tpu.dma_semaphore, #tpu.memory_space<semaphore_mem>>) attributes {dimension_semantics = [#tpu.dimension_semantics<core_parallel>, #tpu.dimension_semantics<subcore_parallel>], iteration_bounds = array<i64: 2, 16>, scalar_prefetch = 0 : i64, scratch_operands = 13 : i64, tpu.core_type = #tpu.core_type<sc_vector_subcore>, window_params = [{transform_indices = #map}, {transform_indices = #map1}, {transform_indices = #map1}, {transform_indices = #map}, {transform_indices = #map2}]} {
    %mul3A = arith.constant 2 : i32
    %mul3A_0 = arith.muli %arg1, %mul3A : i32
    %add3A = arith.addi %mul3A_0, %arg0 : i32
    %mul3A_1 = arith.constant 10240 : i32
    %mul3A_2 = arith.muli %add3A, %mul3A_1 : i32
    %mul3A_3 = arith.constant 632 : i32
    %mul3A_4 = arith.muli %arg1, %mul3A_3 : i32
    "tpu.region"() ({
      %run_scoped3A = tpu.sem_alloc : memref<!tpu.dma_semaphore, #tpu.memory_space<semaphore_mem>>
      %dma_start3A_37 = arith.constant 0 : i32
      %dma_start3A_38 = tpu.memref_slice %arg7[%mul3A_4, %dma_start3A_37] : memref<10112x128xf32, #tpu.memory_space<vmem_shared>> -> memref<632x128xf32, #tpu.memory_space<vmem_shared>>
      tpu.enqueue_dma source(%arg5 : memref<632x128xf32, #tpu.memory_space<hbm>>) target(%dma_start3A_38 : memref<632x128xf32, #tpu.memory_space<vmem_shared>>) target_semaphore(%run_scoped3A : memref<!tpu.dma_semaphore, #tpu.memory_space<semaphore_mem>>)
      %dma_wait3A_39 = arith.constant 0 : i32
      %dma_wait3A_40 = tpu.memref_slice %arg7[%mul3A_4, %dma_wait3A_39] : memref<10112x128xf32, #tpu.memory_space<vmem_shared>> -> memref<632x128xf32, #tpu.memory_space<vmem_shared>>
      tpu.wait_dma2 semaphore(%run_scoped3A : memref<!tpu.dma_semaphore, #tpu.memory_space<semaphore_mem>>) src(%arg5 : memref<632x128xf32, #tpu.memory_space<hbm>>) dst(%dma_wait3A_40 : memref<632x128xf32, #tpu.memory_space<vmem_shared>>)
      tpu.yield
    }) : () -> ()
    %dma_start3A = tpu.memref_slice %arg3[%mul3A_2] : memref<327680xi32, #tpu.memory_space<hbm>> -> memref<128xi32, #tpu.memory_space<hbm>>
    %dma_start3A_5 = tpu.memref_slice %arg3[%mul3A_2] : memref<327680xi32, #tpu.memory_space<hbm>> -> memref<128xi32, #tpu.memory_space<hbm>>
    tpu.enqueue_dma source(%dma_start3A_5 : memref<128xi32, #tpu.memory_space<hbm>>) target(%arg8 : memref<128xi32, #tpu.memory_space<vmem>>) target_semaphore(%arg16 : memref<!tpu.dma_semaphore, #tpu.memory_space<semaphore_mem>>)
    %dma_start3A_6 = tpu.memref_slice %arg4[%mul3A_2] : memref<327680xi32, #tpu.memory_space<hbm>> -> memref<128xi32, #tpu.memory_space<hbm>>
    %dma_start3A_7 = tpu.memref_slice %arg4[%mul3A_2] : memref<327680xi32, #tpu.memory_space<hbm>> -> memref<128xi32, #tpu.memory_space<hbm>>
    tpu.enqueue_dma source(%dma_start3A_7 : memref<128xi32, #tpu.memory_space<hbm>>) target(%arg10 : memref<128xi32, #tpu.memory_space<vmem>>) target_semaphore(%arg18 : memref<!tpu.dma_semaphore, #tpu.memory_space<semaphore_mem>>)
    %add3A_8 = arith.constant 128 : i32
    %add3A_9 = arith.addi %mul3A_2, %add3A_8 : i32
    %dma_start3A_10 = tpu.memref_slice %arg3[%add3A_9] : memref<327680xi32, #tpu.memory_space<hbm>> -> memref<128xi32, #tpu.memory_space<hbm>>
    %dma_start3A_11 = tpu.memref_slice %arg3[%add3A_9] : memref<327680xi32, #tpu.memory_space<hbm>> -> memref<128xi32, #tpu.memory_space<hbm>>
    tpu.enqueue_dma source(%dma_start3A_11 : memref<128xi32, #tpu.memory_space<hbm>>) target(%arg9 : memref<128xi32, #tpu.memory_space<vmem>>) target_semaphore(%arg17 : memref<!tpu.dma_semaphore, #tpu.memory_space<semaphore_mem>>)
    %dma_start3A_12 = tpu.memref_slice %arg4[%add3A_9] : memref<327680xi32, #tpu.memory_space<hbm>> -> memref<128xi32, #tpu.memory_space<hbm>>
    %dma_start3A_13 = tpu.memref_slice %arg4[%add3A_9] : memref<327680xi32, #tpu.memory_space<hbm>> -> memref<128xi32, #tpu.memory_space<hbm>>
    tpu.enqueue_dma source(%dma_start3A_13 : memref<128xi32, #tpu.memory_space<hbm>>) target(%arg11 : memref<128xi32, #tpu.memory_space<vmem>>) target_semaphore(%arg19 : memref<!tpu.dma_semaphore, #tpu.memory_space<semaphore_mem>>)
    %dma_wait3A = tpu.memref_slice %arg3[%mul3A_2] : memref<327680xi32, #tpu.memory_space<hbm>> -> memref<128xi32, #tpu.memory_space<hbm>>
    %dma_wait3A_14 = tpu.memref_slice %arg3[%mul3A_2] : memref<327680xi32, #tpu.memory_space<hbm>> -> memref<128xi32, #tpu.memory_space<hbm>>
    tpu.wait_dma2 semaphore(%arg16 : memref<!tpu.dma_semaphore, #tpu.memory_space<semaphore_mem>>) src(%dma_wait3A_14 : memref<128xi32, #tpu.memory_space<hbm>>) dst(%arg8 : memref<128xi32, #tpu.memory_space<vmem>>)
    %dma_wait3A_15 = tpu.memref_slice %arg4[%mul3A_2] : memref<327680xi32, #tpu.memory_space<hbm>> -> memref<128xi32, #tpu.memory_space<hbm>>
    %dma_wait3A_16 = tpu.memref_slice %arg4[%mul3A_2] : memref<327680xi32, #tpu.memory_space<hbm>> -> memref<128xi32, #tpu.memory_space<hbm>>
    tpu.wait_dma2 semaphore(%arg18 : memref<!tpu.dma_semaphore, #tpu.memory_space<semaphore_mem>>) src(%dma_wait3A_16 : memref<128xi32, #tpu.memory_space<hbm>>) dst(%arg10 : memref<128xi32, #tpu.memory_space<vmem>>)
    %dma_start3A_17 = arith.constant 0 : i32
    %dma_start3A_18 = arith.constant 0 : i32
    %dma_start3A_19 = tpu.memref_slice %arg2[%dma_start3A_17, %dma_start3A_18] : memref<10000x128xf32, #tpu.memory_space<hbm>> -> memref<10000x128xf32, #tpu.memory_space<hbm>>
    tpu.enqueue_indirect_dma source(%dma_start3A_19 : memref<10000x128xf32, #tpu.memory_space<hbm>>) target(%arg12 : memref<128x128xf32, #tpu.memory_space<vmem>>) offsets(%arg8 : memref<128xi32, #tpu.memory_space<vmem>>) semaphore(%arg14 : memref<!tpu.dma_semaphore, #tpu.memory_space<semaphore_mem>>)
    %barrier3A = arith.constant 0 : index
    tpu.barrier barrier_id(%barrier3A)
    %scan3A = arith.constant 0 : i32
    %scan3A_20 = arith.constant 0 : i32
    %scan3A_21 = arith.constant 40 : i32
    %scan3A_22 = arith.addi %scan3A_20, %scan3A_21 : i32
    %scan3A_23 = arith.constant 1 : i32
    scf.for %scan3A_37 = %scan3A_20 to %scan3A_22 step %scan3A_23  : i32 {
      %mul3A_38 = arith.constant 2 : i32
      %mul3A_39 = arith.muli %mul3A_38, %scan3A_37 : i32
      %add3A_40 = arith.constant 0 : i32
      %add3A_41 = arith.addi %mul3A_39, %add3A_40 : i32
      %dma_wait3A_42 = tpu.memref_slice %arg3[%mul3A_2] : memref<327680xi32, #tpu.memory_space<hbm>> -> memref<128xi32, #tpu.memory_space<hbm>>
      %dma_wait3A_43 = tpu.memref_slice %arg3[%mul3A_2] : memref<327680xi32, #tpu.memory_space<hbm>> -> memref<128xi32, #tpu.memory_space<hbm>>
      tpu.wait_dma2 semaphore(%arg17 : memref<!tpu.dma_semaphore, #tpu.memory_space<semaphore_mem>>) src(%dma_wait3A_43 : memref<128xi32, #tpu.memory_space<hbm>>) dst(%arg9 : memref<128xi32, #tpu.memory_space<vmem>>)
      %dma_wait3A_44 = tpu.memref_slice %arg4[%mul3A_2] : memref<327680xi32, #tpu.memory_space<hbm>> -> memref<128xi32, #tpu.memory_space<hbm>>
      %dma_wait3A_45 = tpu.memref_slice %arg4[%mul3A_2] : memref<327680xi32, #tpu.memory_space<hbm>> -> memref<128xi32, #tpu.memory_space<hbm>>
      tpu.wait_dma2 semaphore(%arg19 : memref<!tpu.dma_semaphore, #tpu.memory_space<semaphore_mem>>) src(%dma_wait3A_45 : memref<128xi32, #tpu.memory_space<hbm>>) dst(%arg11 : memref<128xi32, #tpu.memory_space<vmem>>)
      %dma_start3A_46 = arith.constant 0 : i32
      %dma_start3A_47 = arith.constant 0 : i32
      %dma_start3A_48 = tpu.memref_slice %arg2[%dma_start3A_46, %dma_start3A_47] : memref<10000x128xf32, #tpu.memory_space<hbm>> -> memref<10000x128xf32, #tpu.memory_space<hbm>>
      tpu.enqueue_indirect_dma source(%dma_start3A_48 : memref<10000x128xf32, #tpu.memory_space<hbm>>) target(%arg13 : memref<128x128xf32, #tpu.memory_space<vmem>>) offsets(%arg9 : memref<128xi32, #tpu.memory_space<vmem>>) semaphore(%arg15 : memref<!tpu.dma_semaphore, #tpu.memory_space<semaphore_mem>>)
      %dma_wait3A_49 = arith.constant 0 : i32
      %dma_wait3A_50 = arith.constant 0 : i32
      %dma_wait3A_51 = tpu.memref_slice %arg2[%dma_wait3A_49, %dma_wait3A_50] : memref<10000x128xf32, #tpu.memory_space<hbm>> -> memref<10000x128xf32, #tpu.memory_space<hbm>>
      tpu.wait_indirect_dma semaphore(%arg14 : memref<!tpu.dma_semaphore, #tpu.memory_space<semaphore_mem>>) src(%dma_wait3A_51 : memref<10000x128xf32, #tpu.memory_space<hbm>>) dst(%arg12 : memref<128x128xf32, #tpu.memory_space<vmem>>)
      "tpu.region"() ({
        %run_scoped3A = tpu.sem_alloc : memref<!tpu.dma_semaphore, #tpu.memory_space<semaphore_mem>>
        %dma_start3A_87 = arith.constant 0 : i32
        %dma_start3A_88 = arith.constant 0 : i32
        %dma_start3A_89 = tpu.memref_slice %arg7[%dma_start3A_87, %dma_start3A_88] : memref<10112x128xf32, #tpu.memory_space<vmem_shared>> -> memref<10112x128xf32, #tpu.memory_space<vmem_shared>>
        tpu.enqueue_indirect_dma source(%arg12 : memref<128x128xf32, #tpu.memory_space<vmem>>) target(%dma_start3A_89 : memref<10112x128xf32, #tpu.memory_space<vmem_shared>>) offsets(%arg10 : memref<128xi32, #tpu.memory_space<vmem>>) semaphore(%run_scoped3A : memref<!tpu.dma_semaphore, #tpu.memory_space<semaphore_mem>>) {add = true}
        %dma_wait3A_90 = arith.constant 0 : i32
        %dma_wait3A_91 = arith.constant 0 : i32
        %dma_wait3A_92 = tpu.memref_slice %arg7[%dma_wait3A_90, %dma_wait3A_91] : memref<10112x128xf32, #tpu.memory_space<vmem_shared>> -> memref<10112x128xf32, #tpu.memory_space<vmem_shared>>
        tpu.wait_indirect_dma semaphore(%run_scoped3A : memref<!tpu.dma_semaphore, #tpu.memory_space<semaphore_mem>>) src(%arg12 : memref<128x128xf32, #tpu.memory_space<vmem>>) dst(%dma_wait3A_92 : memref<10112x128xf32, #tpu.memory_space<vmem_shared>>)
        tpu.yield
      }) : () -> ()
      %add3A_52 = arith.constant 2 : i32
      %add3A_53 = arith.addi %add3A_41, %add3A_52 : i32
      %rem3A = arith.constant 80 : i32
      %rem3A_54 = arith.remsi %add3A_53, %rem3A : i32
      %mul3A_55 = arith.constant 128 : i32
      %mul3A_56 = arith.muli %rem3A_54, %mul3A_55 : i32
      %add3A_57 = arith.addi %mul3A_2, %mul3A_56 : i32
      %dma_start3A_58 = tpu.memref_slice %arg3[%add3A_57] : memref<327680xi32, #tpu.memory_space<hbm>> -> memref<128xi32, #tpu.memory_space<hbm>>
      %dma_start3A_59 = tpu.memref_slice %arg3[%add3A_57] : memref<327680xi32, #tpu.memory_space<hbm>> -> memref<128xi32, #tpu.memory_space<hbm>>
      tpu.enqueue_dma source(%dma_start3A_59 : memref<128xi32, #tpu.memory_space<hbm>>) target(%arg8 : memref<128xi32, #tpu.memory_space<vmem>>) target_semaphore(%arg16 : memref<!tpu.dma_semaphore, #tpu.memory_space<semaphore_mem>>)
      %dma_start3A_60 = tpu.memref_slice %arg4[%add3A_57] : memref<327680xi32, #tpu.memory_space<hbm>> -> memref<128xi32, #tpu.memory_space<hbm>>
      %dma_start3A_61 = tpu.memref_slice %arg4[%add3A_57] : memref<327680xi32, #tpu.memory_space<hbm>> -> memref<128xi32, #tpu.memory_space<hbm>>
      tpu.enqueue_dma source(%dma_start3A_61 : memref<128xi32, #tpu.memory_space<hbm>>) target(%arg10 : memref<128xi32, #tpu.memory_space<vmem>>) target_semaphore(%arg18 : memref<!tpu.dma_semaphore, #tpu.memory_space<semaphore_mem>>)
      %mul3A_62 = arith.constant 2 : i32
      %mul3A_63 = arith.muli %mul3A_62, %scan3A_37 : i32
      %add3A_64 = arith.constant 1 : i32
      %add3A_65 = arith.addi %mul3A_63, %add3A_64 : i32
      %dma_wait3A_66 = tpu.memref_slice %arg3[%mul3A_2] : memref<327680xi32, #tpu.memory_space<hbm>> -> memref<128xi32, #tpu.memory_space<hbm>>
      %dma_wait3A_67 = tpu.memref_slice %arg3[%mul3A_2] : memref<327680xi32, #tpu.memory_space<hbm>> -> memref<128xi32, #tpu.memory_space<hbm>>
      tpu.wait_dma2 semaphore(%arg16 : memref<!tpu.dma_semaphore, #tpu.memory_space<semaphore_mem>>) src(%dma_wait3A_67 : memref<128xi32, #tpu.memory_space<hbm>>) dst(%arg8 : memref<128xi32, #tpu.memory_space<vmem>>)
      %dma_wait3A_68 = tpu.memref_slice %arg4[%mul3A_2] : memref<327680xi32, #tpu.memory_space<hbm>> -> memref<128xi32, #tpu.memory_space<hbm>>
      %dma_wait3A_69 = tpu.memref_slice %arg4[%mul3A_2] : memref<327680xi32, #tpu.memory_space<hbm>> -> memref<128xi32, #tpu.memory_space<hbm>>
      tpu.wait_dma2 semaphore(%arg18 : memref<!tpu.dma_semaphore, #tpu.memory_space<semaphore_mem>>) src(%dma_wait3A_69 : memref<128xi32, #tpu.memory_space<hbm>>) dst(%arg10 : memref<128xi32, #tpu.memory_space<vmem>>)
      %dma_start3A_70 = arith.constant 0 : i32
      %dma_start3A_71 = arith.constant 0 : i32
      %dma_start3A_72 = tpu.memref_slice %arg2[%dma_start3A_70, %dma_start3A_71] : memref<10000x128xf32, #tpu.memory_space<hbm>> -> memref<10000x128xf32, #tpu.memory_space<hbm>>
      tpu.enqueue_indirect_dma source(%dma_start3A_72 : memref<10000x128xf32, #tpu.memory_space<hbm>>) target(%arg12 : memref<128x128xf32, #tpu.memory_space<vmem>>) offsets(%arg8 : memref<128xi32, #tpu.memory_space<vmem>>) semaphore(%arg14 : memref<!tpu.dma_semaphore, #tpu.memory_space<semaphore_mem>>)
      %dma_wait3A_73 = arith.constant 0 : i32
      %dma_wait3A_74 = arith.constant 0 : i32
      %dma_wait3A_75 = tpu.memref_slice %arg2[%dma_wait3A_73, %dma_wait3A_74] : memref<10000x128xf32, #tpu.memory_space<hbm>> -> memref<10000x128xf32, #tpu.memory_space<hbm>>
      tpu.wait_indirect_dma semaphore(%arg15 : memref<!tpu.dma_semaphore, #tpu.memory_space<semaphore_mem>>) src(%dma_wait3A_75 : memref<10000x128xf32, #tpu.memory_space<hbm>>) dst(%arg13 : memref<128x128xf32, #tpu.memory_space<vmem>>)
      "tpu.region"() ({
        %run_scoped3A = tpu.sem_alloc : memref<!tpu.dma_semaphore, #tpu.memory_space<semaphore_mem>>
        %dma_start3A_87 = arith.constant 0 : i32
        %dma_start3A_88 = arith.constant 0 : i32
        %dma_start3A_89 = tpu.memref_slice %arg7[%dma_start3A_87, %dma_start3A_88] : memref<10112x128xf32, #tpu.memory_space<vmem_shared>> -> memref<10112x128xf32, #tpu.memory_space<vmem_shared>>
        tpu.enqueue_indirect_dma source(%arg13 : memref<128x128xf32, #tpu.memory_space<vmem>>) target(%dma_start3A_89 : memref<10112x128xf32, #tpu.memory_space<vmem_shared>>) offsets(%arg11 : memref<128xi32, #tpu.memory_space<vmem>>) semaphore(%run_scoped3A : memref<!tpu.dma_semaphore, #tpu.memory_space<semaphore_mem>>) {add = true}
        %dma_wait3A_90 = arith.constant 0 : i32
        %dma_wait3A_91 = arith.constant 0 : i32
        %dma_wait3A_92 = tpu.memref_slice %arg7[%dma_wait3A_90, %dma_wait3A_91] : memref<10112x128xf32, #tpu.memory_space<vmem_shared>> -> memref<10112x128xf32, #tpu.memory_space<vmem_shared>>
        tpu.wait_indirect_dma semaphore(%run_scoped3A : memref<!tpu.dma_semaphore, #tpu.memory_space<semaphore_mem>>) src(%arg13 : memref<128x128xf32, #tpu.memory_space<vmem>>) dst(%dma_wait3A_92 : memref<10112x128xf32, #tpu.memory_space<vmem_shared>>)
        tpu.yield
      }) : () -> ()
      %add3A_76 = arith.constant 2 : i32
      %add3A_77 = arith.addi %add3A_65, %add3A_76 : i32
      %rem3A_78 = arith.constant 80 : i32
      %rem3A_79 = arith.remsi %add3A_77, %rem3A_78 : i32
      %mul3A_80 = arith.constant 128 : i32
      %mul3A_81 = arith.muli %rem3A_79, %mul3A_80 : i32
      %add3A_82 = arith.addi %mul3A_2, %mul3A_81 : i32
      %dma_start3A_83 = tpu.memref_slice %arg3[%add3A_82] : memref<327680xi32, #tpu.memory_space<hbm>> -> memref<128xi32, #tpu.memory_space<hbm>>
      %dma_start3A_84 = tpu.memref_slice %arg3[%add3A_82] : memref<327680xi32, #tpu.memory_space<hbm>> -> memref<128xi32, #tpu.memory_space<hbm>>
      tpu.enqueue_dma source(%dma_start3A_84 : memref<128xi32, #tpu.memory_space<hbm>>) target(%arg9 : memref<128xi32, #tpu.memory_space<vmem>>) target_semaphore(%arg17 : memref<!tpu.dma_semaphore, #tpu.memory_space<semaphore_mem>>)
      %dma_start3A_85 = tpu.memref_slice %arg4[%add3A_82] : memref<327680xi32, #tpu.memory_space<hbm>> -> memref<128xi32, #tpu.memory_space<hbm>>
      %dma_start3A_86 = tpu.memref_slice %arg4[%add3A_82] : memref<327680xi32, #tpu.memory_space<hbm>> -> memref<128xi32, #tpu.memory_space<hbm>>
      tpu.enqueue_dma source(%dma_start3A_86 : memref<128xi32, #tpu.memory_space<hbm>>) target(%arg11 : memref<128xi32, #tpu.memory_space<vmem>>) target_semaphore(%arg19 : memref<!tpu.dma_semaphore, #tpu.memory_space<semaphore_mem>>)
    }
    %scan3A_24 = arith.constant 40 : i32
    %dma_wait3A_25 = arith.constant 0 : i32
    %dma_wait3A_26 = arith.constant 0 : i32
    %dma_wait3A_27 = tpu.memref_slice %arg2[%dma_wait3A_25, %dma_wait3A_26] : memref<10000x128xf32, #tpu.memory_space<hbm>> -> memref<10000x128xf32, #tpu.memory_space<hbm>>
    tpu.wait_indirect_dma semaphore(%arg14 : memref<!tpu.dma_semaphore, #tpu.memory_space<semaphore_mem>>) src(%dma_wait3A_27 : memref<10000x128xf32, #tpu.memory_space<hbm>>) dst(%arg12 : memref<128x128xf32, #tpu.memory_space<vmem>>)
    %dma_wait3A_28 = tpu.memref_slice %arg3[%mul3A_2] : memref<327680xi32, #tpu.memory_space<hbm>> -> memref<128xi32, #tpu.memory_space<hbm>>
    %dma_wait3A_29 = tpu.memref_slice %arg3[%mul3A_2] : memref<327680xi32, #tpu.memory_space<hbm>> -> memref<128xi32, #tpu.memory_space<hbm>>
    tpu.wait_dma2 semaphore(%arg17 : memref<!tpu.dma_semaphore, #tpu.memory_space<semaphore_mem>>) src(%dma_wait3A_29 : memref<128xi32, #tpu.memory_space<hbm>>) dst(%arg9 : memref<128xi32, #tpu.memory_space<vmem>>)
    %dma_wait3A_30 = tpu.memref_slice %arg4[%mul3A_2] : memref<327680xi32, #tpu.memory_space<hbm>> -> memref<128xi32, #tpu.memory_space<hbm>>
    %dma_wait3A_31 = tpu.memref_slice %arg4[%mul3A_2] : memref<327680xi32, #tpu.memory_space<hbm>> -> memref<128xi32, #tpu.memory_space<hbm>>
    tpu.wait_dma2 semaphore(%arg19 : memref<!tpu.dma_semaphore, #tpu.memory_space<semaphore_mem>>) src(%dma_wait3A_31 : memref<128xi32, #tpu.memory_space<hbm>>) dst(%arg11 : memref<128xi32, #tpu.memory_space<vmem>>)
    %barrier3A_32 = arith.constant 0 : index
    tpu.barrier barrier_id(%barrier3A_32)
    %mul3A_33 = arith.constant 632 : i32
    %mul3A_34 = arith.muli %arg1, %mul3A_33 : i32
    %mul3A_35 = arith.constant 632 : i32
    %mul3A_36 = arith.muli %arg1, %mul3A_35 : i32
    "tpu.region"() ({
      %run_scoped3A = tpu.sem_alloc : memref<!tpu.dma_semaphore, #tpu.memory_space<semaphore_mem>>
      %dma_start3A_37 = arith.constant 0 : i32
      %dma_start3A_38 = tpu.memref_slice %arg6[%arg0, %mul3A_36, %dma_start3A_37] : memref<2x10112x128xf32, #tpu.memory_space<hbm>> -> memref<1x632x128xf32, #tpu.memory_space<hbm>>
      %dma_start3A_39 = tpu.memref_squeeze %dma_start3A_38 : memref<1x632x128xf32, #tpu.memory_space<hbm>> -> memref<632x128xf32, #tpu.memory_space<hbm>>
      %dma_start3A_40 = arith.constant 0 : i32
      %dma_start3A_41 = tpu.memref_slice %arg7[%mul3A_34, %dma_start3A_40] : memref<10112x128xf32, #tpu.memory_space<vmem_shared>> -> memref<632x128xf32, #tpu.memory_space<vmem_shared>>
      tpu.enqueue_dma source(%dma_start3A_41 : memref<632x128xf32, #tpu.memory_space<vmem_shared>>) target(%dma_start3A_39 : memref<632x128xf32, #tpu.memory_space<hbm>>) target_semaphore(%run_scoped3A : memref<!tpu.dma_semaphore, #tpu.memory_space<semaphore_mem>>)
      %dma_wait3A_42 = arith.constant 0 : i32
      %dma_wait3A_43 = tpu.memref_slice %arg6[%arg0, %mul3A_36, %dma_wait3A_42] : memref<2x10112x128xf32, #tpu.memory_space<hbm>> -> memref<1x632x128xf32, #tpu.memory_space<hbm>>
      %dma_wait3A_44 = tpu.memref_squeeze %dma_wait3A_43 : memref<1x632x128xf32, #tpu.memory_space<hbm>> -> memref<632x128xf32, #tpu.memory_space<hbm>>
      %dma_wait3A_45 = arith.constant 0 : i32
      %dma_wait3A_46 = tpu.memref_slice %arg7[%mul3A_34, %dma_wait3A_45] : memref<10112x128xf32, #tpu.memory_space<vmem_shared>> -> memref<632x128xf32, #tpu.memory_space<vmem_shared>>
      tpu.wait_dma2 semaphore(%run_scoped3A : memref<!tpu.dma_semaphore, #tpu.memory_space<semaphore_mem>>) src(%dma_wait3A_46 : memref<632x128xf32, #tpu.memory_space<vmem_shared>>) dst(%dma_wait3A_44 : memref<632x128xf32, #tpu.memory_space<hbm>>)
      tpu.yield
    }) : () -> ()
    return
  }
}

#map = affine_map<(d0, d1) -> (0, 0)>
#map1 = affine_map<(d0, d1) -> (0)>
#map2 = affine_map<(d0, d1) -> (0, 0, 0)>
module attributes {stable_mosaic.version = 14 : i64} {
  func.func @body(%arg0: i32, %arg1: i32, %arg2: memref<10000x128xf32, #tpu.memory_space<hbm>>, %arg3: memref<327680xi32, #tpu.memory_space<hbm>>, %arg4: memref<327680xi32, #tpu.memory_space<hbm>>, %arg5: memref<632x128xf32, #tpu.memory_space<hbm>>, %arg6: memref<2x10112x128xf32, #tpu.memory_space<hbm>>, %arg7: memref<10112x128xf32, #tpu.memory_space<vmem_shared>>, %arg8: memref<128xi32, #tpu.memory_space<vmem>>, %arg9: memref<128xi32, #tpu.memory_space<vmem>>, %arg10: memref<128xi32, #tpu.memory_space<vmem>>, %arg11: memref<128xi32, #tpu.memory_space<vmem>>, %arg12: memref<128x128xf32, #tpu.memory_space<vmem>>, %arg13: memref<128x128xf32, #tpu.memory_space<vmem>>, %arg14: memref<!tpu.dma_semaphore, #tpu.memory_space<semaphore_mem>>, %arg15: memref<!tpu.dma_semaphore, #tpu.memory_space<semaphore_mem>>, %arg16: memref<!tpu.dma_semaphore, #tpu.memory_space<semaphore_mem>>, %arg17: memref<!tpu.dma_semaphore, #tpu.memory_space<semaphore_mem>>, %arg18: memref<!tpu.dma_semaphore, #tpu.memory_space<semaphore_mem>>, %arg19: memref<!tpu.dma_semaphore, #tpu.memory_space<semaphore_mem>>) attributes {dimension_semantics = [#tpu.dimension_semantics<core_parallel>, #tpu.dimension_semantics<subcore_parallel>], iteration_bounds = array<i64: 2, 16>, scalar_prefetch = 0 : i64, scratch_operands = 13 : i64, tpu.core_type = #tpu.core_type<sc_vector_subcore>, window_params = [{transform_indices = #map}, {transform_indices = #map1}, {transform_indices = #map1}, {transform_indices = #map}, {transform_indices = #map2}]} {
    %mul3A = arith.constant 2 : i32
    %mul3A_0 = arith.muli %arg1, %mul3A : i32
    %add3A = arith.addi %mul3A_0, %arg0 : i32
    %mul3A_1 = arith.constant 10240 : i32
    %mul3A_2 = arith.muli %add3A, %mul3A_1 : i32
    %mul3A_3 = arith.constant 632 : i32
    %mul3A_4 = arith.muli %arg1, %mul3A_3 : i32
    "tpu.region"() ({
      %run_scoped3A = tpu.sem_alloc : memref<!tpu.dma_semaphore, #tpu.memory_space<semaphore_mem>>
      %dma_start3A_37 = arith.constant 0 : i32
      %dma_start3A_38 = tpu.memref_slice %arg7[%mul3A_4, %dma_start3A_37] : memref<10112x128xf32, #tpu.memory_space<vmem_shared>> -> memref<632x128xf32, #tpu.memory_space<vmem_shared>>
      tpu.enqueue_dma source(%arg5 : memref<632x128xf32, #tpu.memory_space<hbm>>) target(%dma_start3A_38 : memref<632x128xf32, #tpu.memory_space<vmem_shared>>) target_semaphore(%run_scoped3A : memref<!tpu.dma_semaphore, #tpu.memory_space<semaphore_mem>>)
      %dma_wait3A_39 = arith.constant 0 : i32
      %dma_wait3A_40 = tpu.memref_slice %arg7[%mul3A_4, %dma_wait3A_39] : memref<10112x128xf32, #tpu.memory_space<vmem_shared>> -> memref<632x128xf32, #tpu.memory_space<vmem_shared>>
      tpu.wait_dma2 semaphore(%run_scoped3A : memref<!tpu.dma_semaphore, #tpu.memory_space<semaphore_mem>>) src(%arg5 : memref<632x128xf32, #tpu.memory_space<hbm>>) dst(%dma_wait3A_40 : memref<632x128xf32, #tpu.memory_space<vmem_shared>>)
      tpu.yield
    }) : () -> ()
    %dma_start3A = tpu.memref_slice %arg3[%mul3A_2] : memref<327680xi32, #tpu.memory_space<hbm>> -> memref<128xi32, #tpu.memory_space<hbm>>
    %dma_start3A_5 = tpu.memref_slice %arg3[%mul3A_2] : memref<327680xi32, #tpu.memory_space<hbm>> -> memref<128xi32, #tpu.memory_space<hbm>>
    tpu.enqueue_dma source(%dma_start3A_5 : memref<128xi32, #tpu.memory_space<hbm>>) target(%arg8 : memref<128xi32, #tpu.memory_space<vmem>>) target_semaphore(%arg16 : memref<!tpu.dma_semaphore, #tpu.memory_space<semaphore_mem>>)
    %dma_start3A_6 = tpu.memref_slice %arg4[%mul3A_2] : memref<327680xi32, #tpu.memory_space<hbm>> -> memref<128xi32, #tpu.memory_space<hbm>>
    %dma_start3A_7 = tpu.memref_slice %arg4[%mul3A_2] : memref<327680xi32, #tpu.memory_space<hbm>> -> memref<128xi32, #tpu.memory_space<hbm>>
    tpu.enqueue_dma source(%dma_start3A_7 : memref<128xi32, #tpu.memory_space<hbm>>) target(%arg10 : memref<128xi32, #tpu.memory_space<vmem>>) target_semaphore(%arg18 : memref<!tpu.dma_semaphore, #tpu.memory_space<semaphore_mem>>)
    %add3A_8 = arith.constant 128 : i32
    %add3A_9 = arith.addi %mul3A_2, %add3A_8 : i32
    %dma_start3A_10 = tpu.memref_slice %arg3[%add3A_9] : memref<327680xi32, #tpu.memory_space<hbm>> -> memref<128xi32, #tpu.memory_space<hbm>>
    %dma_start3A_11 = tpu.memref_slice %arg3[%add3A_9] : memref<327680xi32, #tpu.memory_space<hbm>> -> memref<128xi32, #tpu.memory_space<hbm>>
    tpu.enqueue_dma source(%dma_start3A_11 : memref<128xi32, #tpu.memory_space<hbm>>) target(%arg9 : memref<128xi32, #tpu.memory_space<vmem>>) target_semaphore(%arg17 : memref<!tpu.dma_semaphore, #tpu.memory_space<semaphore_mem>>)
    %dma_start3A_12 = tpu.memref_slice %arg4[%add3A_9] : memref<327680xi32, #tpu.memory_space<hbm>> -> memref<128xi32, #tpu.memory_space<hbm>>
    %dma_start3A_13 = tpu.memref_slice %arg4[%add3A_9] : memref<327680xi32, #tpu.memory_space<hbm>> -> memref<128xi32, #tpu.memory_space<hbm>>
    tpu.enqueue_dma source(%dma_start3A_13 : memref<128xi32, #tpu.memory_space<hbm>>) target(%arg11 : memref<128xi32, #tpu.memory_space<vmem>>) target_semaphore(%arg19 : memref<!tpu.dma_semaphore, #tpu.memory_space<semaphore_mem>>)
    %dma_wait3A = tpu.memref_slice %arg3[%mul3A_2] : memref<327680xi32, #tpu.memory_space<hbm>> -> memref<128xi32, #tpu.memory_space<hbm>>
    %dma_wait3A_14 = tpu.memref_slice %arg3[%mul3A_2] : memref<327680xi32, #tpu.memory_space<hbm>> -> memref<128xi32, #tpu.memory_space<hbm>>
    tpu.wait_dma2 semaphore(%arg16 : memref<!tpu.dma_semaphore, #tpu.memory_space<semaphore_mem>>) src(%dma_wait3A_14 : memref<128xi32, #tpu.memory_space<hbm>>) dst(%arg8 : memref<128xi32, #tpu.memory_space<vmem>>)
    %dma_wait3A_15 = tpu.memref_slice %arg4[%mul3A_2] : memref<327680xi32, #tpu.memory_space<hbm>> -> memref<128xi32, #tpu.memory_space<hbm>>
    %dma_wait3A_16 = tpu.memref_slice %arg4[%mul3A_2] : memref<327680xi32, #tpu.memory_space<hbm>> -> memref<128xi32, #tpu.memory_space<hbm>>
    tpu.wait_dma2 semaphore(%arg18 : memref<!tpu.dma_semaphore, #tpu.memory_space<semaphore_mem>>) src(%dma_wait3A_16 : memref<128xi32, #tpu.memory_space<hbm>>) dst(%arg10 : memref<128xi32, #tpu.memory_space<vmem>>)
    %dma_start3A_17 = arith.constant 0 : i32
    %dma_start3A_18 = arith.constant 0 : i32
    %dma_start3A_19 = tpu.memref_slice %arg2[%dma_start3A_17, %dma_start3A_18] : memref<10000x128xf32, #tpu.memory_space<hbm>> -> memref<10000x128xf32, #tpu.memory_space<hbm>>
    tpu.enqueue_indirect_dma source(%dma_start3A_19 : memref<10000x128xf32, #tpu.memory_space<hbm>>) target(%arg12 : memref<128x128xf32, #tpu.memory_space<vmem>>) offsets(%arg8 : memref<128xi32, #tpu.memory_space<vmem>>) semaphore(%arg14 : memref<!tpu.dma_semaphore, #tpu.memory_space<semaphore_mem>>)
    %barrier3A = arith.constant 0 : index
    tpu.barrier barrier_id(%barrier3A)
    %scan3A = arith.constant 0 : i32
    %scan3A_20 = arith.constant 0 : i32
    %scan3A_21 = arith.constant 40 : i32
    %scan3A_22 = arith.addi %scan3A_20, %scan3A_21 : i32
    %scan3A_23 = arith.constant 1 : i32
    scf.for %scan3A_37 = %scan3A_20 to %scan3A_22 step %scan3A_23  : i32 {
      %mul3A_38 = arith.constant 2 : i32
      %mul3A_39 = arith.muli %mul3A_38, %scan3A_37 : i32
      %add3A_40 = arith.constant 0 : i32
      %add3A_41 = arith.addi %mul3A_39, %add3A_40 : i32
      %dma_wait3A_42 = tpu.memref_slice %arg3[%mul3A_2] : memref<327680xi32, #tpu.memory_space<hbm>> -> memref<128xi32, #tpu.memory_space<hbm>>
      %dma_wait3A_43 = tpu.memref_slice %arg3[%mul3A_2] : memref<327680xi32, #tpu.memory_space<hbm>> -> memref<128xi32, #tpu.memory_space<hbm>>
      tpu.wait_dma2 semaphore(%arg17 : memref<!tpu.dma_semaphore, #tpu.memory_space<semaphore_mem>>) src(%dma_wait3A_43 : memref<128xi32, #tpu.memory_space<hbm>>) dst(%arg9 : memref<128xi32, #tpu.memory_space<vmem>>)
      %dma_wait3A_44 = tpu.memref_slice %arg4[%mul3A_2] : memref<327680xi32, #tpu.memory_space<hbm>> -> memref<128xi32, #tpu.memory_space<hbm>>
      %dma_wait3A_45 = tpu.memref_slice %arg4[%mul3A_2] : memref<327680xi32, #tpu.memory_space<hbm>> -> memref<128xi32, #tpu.memory_space<hbm>>
      tpu.wait_dma2 semaphore(%arg19 : memref<!tpu.dma_semaphore, #tpu.memory_space<semaphore_mem>>) src(%dma_wait3A_45 : memref<128xi32, #tpu.memory_space<hbm>>) dst(%arg11 : memref<128xi32, #tpu.memory_space<vmem>>)
      %dma_start3A_46 = arith.constant 0 : i32
      %dma_start3A_47 = arith.constant 0 : i32
      %dma_start3A_48 = tpu.memref_slice %arg2[%dma_start3A_46, %dma_start3A_47] : memref<10000x128xf32, #tpu.memory_space<hbm>> -> memref<10000x128xf32, #tpu.memory_space<hbm>>
      tpu.enqueue_indirect_dma source(%dma_start3A_48 : memref<10000x128xf32, #tpu.memory_space<hbm>>) target(%arg13 : memref<128x128xf32, #tpu.memory_space<vmem>>) offsets(%arg9 : memref<128xi32, #tpu.memory_space<vmem>>) semaphore(%arg15 : memref<!tpu.dma_semaphore, #tpu.memory_space<semaphore_mem>>)
      %dma_wait3A_49 = arith.constant 0 : i32
      %dma_wait3A_50 = arith.constant 0 : i32
      %dma_wait3A_51 = tpu.memref_slice %arg2[%dma_wait3A_49, %dma_wait3A_50] : memref<10000x128xf32, #tpu.memory_space<hbm>> -> memref<10000x128xf32, #tpu.memory_space<hbm>>
      tpu.wait_indirect_dma semaphore(%arg14 : memref<!tpu.dma_semaphore, #tpu.memory_space<semaphore_mem>>) src(%dma_wait3A_51 : memref<10000x128xf32, #tpu.memory_space<hbm>>) dst(%arg12 : memref<128x128xf32, #tpu.memory_space<vmem>>)
      "tpu.region"() ({
        %run_scoped3A = tpu.sem_alloc : memref<!tpu.dma_semaphore, #tpu.memory_space<semaphore_mem>>
        %dma_start3A_87 = arith.constant 0 : i32
        %dma_start3A_88 = arith.constant 0 : i32
        %dma_start3A_89 = tpu.memref_slice %arg7[%dma_start3A_87, %dma_start3A_88] : memref<10112x128xf32, #tpu.memory_space<vmem_shared>> -> memref<10112x128xf32, #tpu.memory_space<vmem_shared>>
        tpu.enqueue_indirect_dma source(%arg12 : memref<128x128xf32, #tpu.memory_space<vmem>>) target(%dma_start3A_89 : memref<10112x128xf32, #tpu.memory_space<vmem_shared>>) offsets(%arg10 : memref<128xi32, #tpu.memory_space<vmem>>) semaphore(%run_scoped3A : memref<!tpu.dma_semaphore, #tpu.memory_space<semaphore_mem>>) {add = true}
        %dma_wait3A_90 = arith.constant 0 : i32
        %dma_wait3A_91 = arith.constant 0 : i32
        %dma_wait3A_92 = tpu.memref_slice %arg7[%dma_wait3A_90, %dma_wait3A_91] : memref<10112x128xf32, #tpu.memory_space<vmem_shared>> -> memref<10112x128xf32, #tpu.memory_space<vmem_shared>>
        tpu.wait_indirect_dma semaphore(%run_scoped3A : memref<!tpu.dma_semaphore, #tpu.memory_space<semaphore_mem>>) src(%arg12 : memref<128x128xf32, #tpu.memory_space<vmem>>) dst(%dma_wait3A_92 : memref<10112x128xf32, #tpu.memory_space<vmem_shared>>)
        tpu.yield
      }) : () -> ()
      %add3A_52 = arith.constant 2 : i32
      %add3A_53 = arith.addi %add3A_41, %add3A_52 : i32
      %rem3A = arith.constant 80 : i32
      %rem3A_54 = arith.remsi %add3A_53, %rem3A : i32
      %mul3A_55 = arith.constant 128 : i32
      %mul3A_56 = arith.muli %rem3A_54, %mul3A_55 : i32
      %add3A_57 = arith.addi %mul3A_2, %mul3A_56 : i32
      %dma_start3A_58 = tpu.memref_slice %arg3[%add3A_57] : memref<327680xi32, #tpu.memory_space<hbm>> -> memref<128xi32, #tpu.memory_space<hbm>>
      %dma_start3A_59 = tpu.memref_slice %arg3[%add3A_57] : memref<327680xi32, #tpu.memory_space<hbm>> -> memref<128xi32, #tpu.memory_space<hbm>>
      tpu.enqueue_dma source(%dma_start3A_59 : memref<128xi32, #tpu.memory_space<hbm>>) target(%arg8 : memref<128xi32, #tpu.memory_space<vmem>>) target_semaphore(%arg16 : memref<!tpu.dma_semaphore, #tpu.memory_space<semaphore_mem>>)
      %dma_start3A_60 = tpu.memref_slice %arg4[%add3A_57] : memref<327680xi32, #tpu.memory_space<hbm>> -> memref<128xi32, #tpu.memory_space<hbm>>
      %dma_start3A_61 = tpu.memref_slice %arg4[%add3A_57] : memref<327680xi32, #tpu.memory_space<hbm>> -> memref<128xi32, #tpu.memory_space<hbm>>
      tpu.enqueue_dma source(%dma_start3A_61 : memref<128xi32, #tpu.memory_space<hbm>>) target(%arg10 : memref<128xi32, #tpu.memory_space<vmem>>) target_semaphore(%arg18 : memref<!tpu.dma_semaphore, #tpu.memory_space<semaphore_mem>>)
      %mul3A_62 = arith.constant 2 : i32
      %mul3A_63 = arith.muli %mul3A_62, %scan3A_37 : i32
      %add3A_64 = arith.constant 1 : i32
      %add3A_65 = arith.addi %mul3A_63, %add3A_64 : i32
      %dma_wait3A_66 = tpu.memref_slice %arg3[%mul3A_2] : memref<327680xi32, #tpu.memory_space<hbm>> -> memref<128xi32, #tpu.memory_space<hbm>>
      %dma_wait3A_67 = tpu.memref_slice %arg3[%mul3A_2] : memref<327680xi32, #tpu.memory_space<hbm>> -> memref<128xi32, #tpu.memory_space<hbm>>
      tpu.wait_dma2 semaphore(%arg16 : memref<!tpu.dma_semaphore, #tpu.memory_space<semaphore_mem>>) src(%dma_wait3A_67 : memref<128xi32, #tpu.memory_space<hbm>>) dst(%arg8 : memref<128xi32, #tpu.memory_space<vmem>>)
      %dma_wait3A_68 = tpu.memref_slice %arg4[%mul3A_2] : memref<327680xi32, #tpu.memory_space<hbm>> -> memref<128xi32, #tpu.memory_space<hbm>>
      %dma_wait3A_69 = tpu.memref_slice %arg4[%mul3A_2] : memref<327680xi32, #tpu.memory_space<hbm>> -> memref<128xi32, #tpu.memory_space<hbm>>
      tpu.wait_dma2 semaphore(%arg18 : memref<!tpu.dma_semaphore, #tpu.memory_space<semaphore_mem>>) src(%dma_wait3A_69 : memref<128xi32, #tpu.memory_space<hbm>>) dst(%arg10 : memref<128xi32, #tpu.memory_space<vmem>>)
      %dma_start3A_70 = arith.constant 0 : i32
      %dma_start3A_71 = arith.constant 0 : i32
      %dma_start3A_72 = tpu.memref_slice %arg2[%dma_start3A_70, %dma_start3A_71] : memref<10000x128xf32, #tpu.memory_space<hbm>> -> memref<10000x128xf32, #tpu.memory_space<hbm>>
      tpu.enqueue_indirect_dma source(%dma_start3A_72 : memref<10000x128xf32, #tpu.memory_space<hbm>>) target(%arg12 : memref<128x128xf32, #tpu.memory_space<vmem>>) offsets(%arg8 : memref<128xi32, #tpu.memory_space<vmem>>) semaphore(%arg14 : memref<!tpu.dma_semaphore, #tpu.memory_space<semaphore_mem>>)
      %dma_wait3A_73 = arith.constant 0 : i32
      %dma_wait3A_74 = arith.constant 0 : i32
      %dma_wait3A_75 = tpu.memref_slice %arg2[%dma_wait3A_73, %dma_wait3A_74] : memref<10000x128xf32, #tpu.memory_space<hbm>> -> memref<10000x128xf32, #tpu.memory_space<hbm>>
      tpu.wait_indirect_dma semaphore(%arg15 : memref<!tpu.dma_semaphore, #tpu.memory_space<semaphore_mem>>) src(%dma_wait3A_75 : memref<10000x128xf32, #tpu.memory_space<hbm>>) dst(%arg13 : memref<128x128xf32, #tpu.memory_space<vmem>>)
      "tpu.region"() ({
        %run_scoped3A = tpu.sem_alloc : memref<!tpu.dma_semaphore, #tpu.memory_space<semaphore_mem>>
        %dma_start3A_87 = arith.constant 0 : i32
        %dma_start3A_88 = arith.constant 0 : i32
        %dma_start3A_89 = tpu.memref_slice %arg7[%dma_start3A_87, %dma_start3A_88] : memref<10112x128xf32, #tpu.memory_space<vmem_shared>> -> memref<10112x128xf32, #tpu.memory_space<vmem_shared>>
        tpu.enqueue_indirect_dma source(%arg13 : memref<128x128xf32, #tpu.memory_space<vmem>>) target(%dma_start3A_89 : memref<10112x128xf32, #tpu.memory_space<vmem_shared>>) offsets(%arg11 : memref<128xi32, #tpu.memory_space<vmem>>) semaphore(%run_scoped3A : memref<!tpu.dma_semaphore, #tpu.memory_space<semaphore_mem>>) {add = true}
        %dma_wait3A_90 = arith.constant 0 : i32
        %dma_wait3A_91 = arith.constant 0 : i32
        %dma_wait3A_92 = tpu.memref_slice %arg7[%dma_wait3A_90, %dma_wait3A_91] : memref<10112x128xf32, #tpu.memory_space<vmem_shared>> -> memref<10112x128xf32, #tpu.memory_space<vmem_shared>>
        tpu.wait_indirect_dma semaphore(%run_scoped3A : memref<!tpu.dma_semaphore, #tpu.memory_space<semaphore_mem>>) src(%arg13 : memref<128x128xf32, #tpu.memory_space<vmem>>) dst(%dma_wait3A_92 : memref<10112x128xf32, #tpu.memory_space<vmem_shared>>)
        tpu.yield
      }) : () -> ()
      %add3A_76 = arith.constant 2 : i32
      %add3A_77 = arith.addi %add3A_65, %add3A_76 : i32
      %rem3A_78 = arith.constant 80 : i32
      %rem3A_79 = arith.remsi %add3A_77, %rem3A_78 : i32
      %mul3A_80 = arith.constant 128 : i32
      %mul3A_81 = arith.muli %rem3A_79, %mul3A_80 : i32
      %add3A_82 = arith.addi %mul3A_2, %mul3A_81 : i32
      %dma_start3A_83 = tpu.memref_slice %arg3[%add3A_82] : memref<327680xi32, #tpu.memory_space<hbm>> -> memref<128xi32, #tpu.memory_space<hbm>>
      %dma_start3A_84 = tpu.memref_slice %arg3[%add3A_82] : memref<327680xi32, #tpu.memory_space<hbm>> -> memref<128xi32, #tpu.memory_space<hbm>>
      tpu.enqueue_dma source(%dma_start3A_84 : memref<128xi32, #tpu.memory_space<hbm>>) target(%arg9 : memref<128xi32, #tpu.memory_space<vmem>>) target_semaphore(%arg17 : memref<!tpu.dma_semaphore, #tpu.memory_space<semaphore_mem>>)
      %dma_start3A_85 = tpu.memref_slice %arg4[%add3A_82] : memref<327680xi32, #tpu.memory_space<hbm>> -> memref<128xi32, #tpu.memory_space<hbm>>
      %dma_start3A_86 = tpu.memref_slice %arg4[%add3A_82] : memref<327680xi32, #tpu.memory_space<hbm>> -> memref<128xi32, #tpu.memory_space<hbm>>
      tpu.enqueue_dma source(%dma_start3A_86 : memref<128xi32, #tpu.memory_space<hbm>>) target(%arg11 : memref<128xi32, #tpu.memory_space<vmem>>) target_semaphore(%arg19 : memref<!tpu.dma_semaphore, #tpu.memory_space<semaphore_mem>>)
    }
    %scan3A_24 = arith.constant 40 : i32
    %dma_wait3A_25 = arith.constant 0 : i32
    %dma_wait3A_26 = arith.constant 0 : i32
    %dma_wait3A_27 = tpu.memref_slice %arg2[%dma_wait3A_25, %dma_wait3A_26] : memref<10000x128xf32, #tpu.memory_space<hbm>> -> memref<10000x128xf32, #tpu.memory_space<hbm>>
    tpu.wait_indirect_dma semaphore(%arg14 : memref<!tpu.dma_semaphore, #tpu.memory_space<semaphore_mem>>) src(%dma_wait3A_27 : memref<10000x128xf32, #tpu.memory_space<hbm>>) dst(%arg12 : memref<128x128xf32, #tpu.memory_space<vmem>>)
    %dma_wait3A_28 = tpu.memref_slice %arg3[%mul3A_2] : memref<327680xi32, #tpu.memory_space<hbm>> -> memref<128xi32, #tpu.memory_space<hbm>>
    %dma_wait3A_29 = tpu.memref_slice %arg3[%mul3A_2] : memref<327680xi32, #tpu.memory_space<hbm>> -> memref<128xi32, #tpu.memory_space<hbm>>
    tpu.wait_dma2 semaphore(%arg17 : memref<!tpu.dma_semaphore, #tpu.memory_space<semaphore_mem>>) src(%dma_wait3A_29 : memref<128xi32, #tpu.memory_space<hbm>>) dst(%arg9 : memref<128xi32, #tpu.memory_space<vmem>>)
    %dma_wait3A_30 = tpu.memref_slice %arg4[%mul3A_2] : memref<327680xi32, #tpu.memory_space<hbm>> -> memref<128xi32, #tpu.memory_space<hbm>>
    %dma_wait3A_31 = tpu.memref_slice %arg4[%mul3A_2] : memref<327680xi32, #tpu.memory_space<hbm>> -> memref<128xi32, #tpu.memory_space<hbm>>
    tpu.wait_dma2 semaphore(%arg19 : memref<!tpu.dma_semaphore, #tpu.memory_space<semaphore_mem>>) src(%dma_wait3A_31 : memref<128xi32, #tpu.memory_space<hbm>>) dst(%arg11 : memref<128xi32, #tpu.memory_space<vmem>>)
    %barrier3A_32 = arith.constant 0 : index
    tpu.barrier barrier_id(%barrier3A_32)
    %mul3A_33 = arith.constant 632 : i32
    %mul3A_34 = arith.muli %arg1, %mul3A_33 : i32
    %mul3A_35 = arith.constant 632 : i32
    %mul3A_36 = arith.muli %arg1, %mul3A_35 : i32
    "tpu.region"() ({
      %run_scoped3A = tpu.sem_alloc : memref<!tpu.dma_semaphore, #tpu.memory_space<semaphore_mem>>
      %dma_start3A_37 = arith.constant 0 : i32
      %dma_start3A_38 = tpu.memref_slice %arg6[%arg0, %mul3A_36, %dma_start3A_37] : memref<2x10112x128xf32, #tpu.memory_space<hbm>> -> memref<1x632x128xf32, #tpu.memory_space<hbm>>
      %dma_start3A_39 = tpu.memref_squeeze %dma_start3A_38 : memref<1x632x128xf32, #tpu.memory_space<hbm>> -> memref<632x128xf32, #tpu.memory_space<hbm>>
      %dma_start3A_40 = arith.constant 0 : i32
      %dma_start3A_41 = tpu.memref_slice %arg7[%mul3A_34, %dma_start3A_40] : memref<10112x128xf32, #tpu.memory_space<vmem_shared>> -> memref<632x128xf32, #tpu.memory_space<vmem_shared>>
      tpu.enqueue_dma source(%dma_start3A_41 : memref<632x128xf32, #tpu.memory_space<vmem_shared>>) target(%dma_start3A_39 : memref<632x128xf32, #tpu.memory_space<hbm>>) target_semaphore(%run_scoped3A : memref<!tpu.dma_semaphore, #tpu.memory_space<semaphore_mem>>)
      %dma_wait3A_42 = arith.constant 0 : i32
      %dma_wait3A_43 = tpu.memref_slice %arg6[%arg0, %mul3A_36, %dma_wait3A_42] : memref<2x10112x128xf32, #tpu.memory_space<hbm>> -> memref<1x632x128xf32, #tpu.memory_space<hbm>>
      %dma_wait3A_44 = tpu.memref_squeeze %dma_wait3A_43 : memref<1x632x128xf32, #tpu.memory_space<hbm>> -> memref<632x128xf32, #tpu.memory_space<hbm>>
      %dma_wait3A_45 = arith.constant 0 : i32
      %dma_wait3A_46 = tpu.memref_slice %arg7[%mul3A_34, %dma_wait3A_45] : memref<10112x128xf32, #tpu.memory_space<vmem_shared>> -> memref<632x128xf32, #tpu.memory_space<vmem_shared>>
      tpu.wait_dma2 semaphore(%run_scoped3A : memref<!tpu.dma_semaphore, #tpu.memory_space<semaphore_mem>>) src(%dma_wait3A_46 : memref<632x128xf32, #tpu.memory_space<vmem_shared>>) dst(%dma_wait3A_44 : memref<632x128xf32, #tpu.memory_space<hbm>>)
      tpu.yield
    }) : () -> ()
    return
  }
}

module attributes {stable_mosaic.version = 14 : i64} {
  func.func @_dense_body(%arg0: memref<1xf32, #tpu.memory_space<smem>>, %arg1: memref<10000x128xf32, #tpu.memory_space<vmem>>, %arg2: memref<10112x128xf32, #tpu.memory_space<vmem>>, %arg3: memref<10112x128xf32, #tpu.memory_space<vmem>>, %arg4: memref<128x128xf32, #tpu.memory_space<vmem>>, %arg5: memref<1x128xf32, #tpu.memory_space<vmem>>, %arg6: memref<1x128xf32, #tpu.memory_space<vmem>>, %arg7: memref<1x128xf32, #tpu.memory_space<vmem>>, %arg8: memref<128x128xf32, #tpu.memory_space<vmem>>, %arg9: memref<1x128xf32, #tpu.memory_space<vmem>>, %arg10: memref<1x128xf32, #tpu.memory_space<vmem>>, %arg11: memref<1x128xf32, #tpu.memory_space<vmem>>, %arg12: memref<1x128xf32, #tpu.memory_space<vmem>>, %arg13: memref<1x128xf32, #tpu.memory_space<vmem>>, %arg14: memref<10000x128xf32, #tpu.memory_space<vmem>>) attributes {dimension_semantics = [], scalar_prefetch = 0 : i64, scratch_operands = 0 : i64, tpu.core_type = #tpu.core_type<tc>} {
    %get3A = arith.constant 0 : index
    %get3A_0 = arith.constant 0 : index
    %get3A_1 = vector.load %arg2[%get3A, %get3A_0] : memref<10112x128xf32, #tpu.memory_space<vmem>>, vector<10000x128xf32>
    %get3A_2 = arith.constant 0 : index
    %get3A_3 = arith.constant 0 : index
    %get3A_4 = vector.load %arg3[%get3A_2, %get3A_3] : memref<10112x128xf32, #tpu.memory_space<vmem>>, vector<10000x128xf32>
    %add3A = arith.addf %get3A_1, %get3A_4 : vector<10000x128xf32>
    %get3A_5 = arith.constant 0 : index
    %get3A_6 = arith.constant 0 : index
    %get3A_7 = vector.load %arg1[%get3A_5, %get3A_6] : memref<10000x128xf32, #tpu.memory_space<vmem>>, vector<10000x128xf32>
    %get3A_8 = arith.constant 0 : index
    %get3A_9 = memref.load %arg0[%get3A_8] : memref<1xf32, #tpu.memory_space<smem>>
    %mul3A = vector.broadcast %get3A_9 : f32 to vector<10000x128xf32>
    %mul3A_10 = arith.mulf %get3A_7, %mul3A : vector<10000x128xf32>
    %add3A_11 = arith.addf %mul3A_10, %add3A : vector<10000x128xf32>
    %get3A_12 = arith.constant 0 : index
    %get3A_13 = arith.constant 0 : index
    %get3A_14 = vector.load %arg4[%get3A_12, %get3A_13] : memref<128x128xf32, #tpu.memory_space<vmem>>, vector<128x128xf32>
    %dot_general3A = arith.constant dense<0.000000e+00> : vector<10000x128xf32>
    %dot_general3A_15 = tpu.matmul %add3A_11, %get3A_14, %dot_general3A {dimension_numbers = #tpu.dot_dimension_numbers<[1], [0], [0], [1], [0, 0, 1, 1], [], []>, transpose_lhs_hint = false} : vector<10000x128xf32>, vector<128x128xf32>, vector<10000x128xf32> -> vector<10000x128xf32>
    %get3A_16 = arith.constant 0 : index
    %get3A_17 = arith.constant 0 : index
    %get3A_18 = vector.load %arg5[%get3A_16, %get3A_17] : memref<1x128xf32, #tpu.memory_space<vmem>>, vector<1x128xf32>
    %add3A_19 = vector.broadcast %get3A_18 : vector<1x128xf32> to vector<10000x128xf32>
    %add3A_20 = arith.addf %dot_general3A_15, %add3A_19 : vector<10000x128xf32>
    %get3A_21 = arith.constant 0 : index
    %get3A_22 = arith.constant 0 : index
    %get3A_23 = vector.load %arg6[%get3A_21, %get3A_22] : memref<1x128xf32, #tpu.memory_space<vmem>>, vector<1x128xf32>
    %get3A_24 = arith.constant 0 : index
    %get3A_25 = arith.constant 0 : index
    %get3A_26 = vector.load %arg7[%get3A_24, %get3A_25] : memref<1x128xf32, #tpu.memory_space<vmem>>, vector<1x128xf32>
    %reduce_sum3A = arith.constant dense<0.000000e+00> : vector<128xf32>
    %reduce_sum3A_27 = vector.multi_reduction <add>, %add3A_20, %reduce_sum3A [0] : vector<10000x128xf32> to vector<128xf32>
    %div3A = arith.constant 1.000000e+04 : f32
    %div3A_28 = vector.broadcast %div3A : f32 to vector<128xf32>
    %div3A_29 = arith.divf %reduce_sum3A_27, %div3A_28 : vector<128xf32>
    %jit3A = arith.constant 0 : i32
    %reduce_sum3A_30 = arith.constant dense<0.000000e+00> : vector<128xf32>
    %reduce_sum3A_31 = vector.multi_reduction <add>, %add3A_20, %reduce_sum3A_30 [0] : vector<10000x128xf32> to vector<128xf32>
    %broadcast_in_dim3A = vector.shape_cast %reduce_sum3A_31 : vector<128xf32> to vector<1x128xf32>
    %div3A_32 = arith.constant 1.000000e+04 : f32
    %div3A_33 = vector.broadcast %div3A_32 : f32 to vector<1x128xf32>
    %div3A_34 = arith.divf %broadcast_in_dim3A, %div3A_33 : vector<1x128xf32>
    %sub3A = vector.broadcast %div3A_34 : vector<1x128xf32> to vector<10000x128xf32>
    %sub3A_35 = arith.subf %add3A_20, %sub3A : vector<10000x128xf32>
    %square3A = arith.mulf %sub3A_35, %sub3A_35 : vector<10000x128xf32>
    %convert_element_type3A = arith.sitofp %jit3A : i32 to f32
    %sub3A_36 = arith.constant 1.000000e+04 : f32
    %sub3A_37 = arith.subf %sub3A_36, %convert_element_type3A : f32
    %reduce_sum3A_38 = arith.constant dense<0.000000e+00> : vector<128xf32>
    %reduce_sum3A_39 = vector.multi_reduction <add>, %square3A, %reduce_sum3A_38 [0] : vector<10000x128xf32> to vector<128xf32>
    %div3A_40 = vector.broadcast %sub3A_37 : f32 to vector<128xf32>
    %div3A_41 = arith.divf %reduce_sum3A_39, %div3A_40 : vector<128xf32>
    %gt3A = arith.constant 0.000000e+00 : f32
    %gt3A_42 = arith.cmpf ogt, %sub3A_37, %gt3A : f32
    %jit3A_43 = arith.constant 0x7FC00000 : f32
    %broadcast_in_dim3A_44 = vector.broadcast %jit3A_43 : f32 to vector<128xf32>
    %select_n3A = arith.select %gt3A_42, %div3A_41, %broadcast_in_dim3A_44 : vector<128xf32>
    %broadcast_in_dim3A_45 = vector.shape_cast %div3A_29 : vector<128xf32> to vector<1x128xf32>
    %sub3A_46 = vector.broadcast %broadcast_in_dim3A_45 : vector<1x128xf32> to vector<10000x128xf32>
    %sub3A_47 = arith.subf %add3A_20, %sub3A_46 : vector<10000x128xf32>
    %mul3A_48 = vector.broadcast %get3A_23 : vector<1x128xf32> to vector<10000x128xf32>
    %mul3A_49 = arith.mulf %mul3A_48, %sub3A_47 : vector<10000x128xf32>
    %add3A_50 = arith.constant 9.99999974E-6 : f32
    %add3A_51 = vector.broadcast %add3A_50 : f32 to vector<128xf32>
    %add3A_52 = arith.addf %select_n3A, %add3A_51 : vector<128xf32>
    %sqrt3A = math.sqrt %add3A_52 : vector<128xf32>
    %broadcast_in_dim3A_53 = vector.shape_cast %sqrt3A : vector<128xf32> to vector<1x128xf32>
    %div3A_54 = vector.broadcast %broadcast_in_dim3A_53 : vector<1x128xf32> to vector<10000x128xf32>
    %div3A_55 = arith.divf %mul3A_49, %div3A_54 : vector<10000x128xf32>
    %add3A_56 = vector.broadcast %get3A_26 : vector<1x128xf32> to vector<10000x128xf32>
    %add3A_57 = arith.addf %div3A_55, %add3A_56 : vector<10000x128xf32>
    %max3A = arith.constant 0.000000e+00 : f32
    %max3A_58 = vector.broadcast %max3A : f32 to vector<10000x128xf32>
    %max3A_59 = arith.maximumf %add3A_57, %max3A_58 : vector<10000x128xf32>
    %get3A_60 = arith.constant 0 : index
    %get3A_61 = arith.constant 0 : index
    %get3A_62 = vector.load %arg8[%get3A_60, %get3A_61] : memref<128x128xf32, #tpu.memory_space<vmem>>, vector<128x128xf32>
    %dot_general3A_63 = arith.constant dense<0.000000e+00> : vector<10000x128xf32>
    %dot_general3A_64 = tpu.matmul %max3A_59, %get3A_62, %dot_general3A_63 {dimension_numbers = #tpu.dot_dimension_numbers<[1], [0], [0], [1], [0, 0, 1, 1], [], []>, transpose_lhs_hint = false} : vector<10000x128xf32>, vector<128x128xf32>, vector<10000x128xf32> -> vector<10000x128xf32>
    %get3A_65 = arith.constant 0 : index
    %get3A_66 = arith.constant 0 : index
    %get3A_67 = vector.load %arg9[%get3A_65, %get3A_66] : memref<1x128xf32, #tpu.memory_space<vmem>>, vector<1x128xf32>
    %add3A_68 = vector.broadcast %get3A_67 : vector<1x128xf32> to vector<10000x128xf32>
    %add3A_69 = arith.addf %dot_general3A_64, %add3A_68 : vector<10000x128xf32>
    %get3A_70 = arith.constant 0 : index
    %get3A_71 = arith.constant 0 : index
    %get3A_72 = vector.load %arg10[%get3A_70, %get3A_71] : memref<1x128xf32, #tpu.memory_space<vmem>>, vector<1x128xf32>
    %get3A_73 = arith.constant 0 : index
    %get3A_74 = arith.constant 0 : index
    %get3A_75 = vector.load %arg11[%get3A_73, %get3A_74] : memref<1x128xf32, #tpu.memory_space<vmem>>, vector<1x128xf32>
    %reduce_sum3A_76 = arith.constant dense<0.000000e+00> : vector<128xf32>
    %reduce_sum3A_77 = vector.multi_reduction <add>, %add3A_69, %reduce_sum3A_76 [0] : vector<10000x128xf32> to vector<128xf32>
    %div3A_78 = arith.constant 1.000000e+04 : f32
    %div3A_79 = vector.broadcast %div3A_78 : f32 to vector<128xf32>
    %div3A_80 = arith.divf %reduce_sum3A_77, %div3A_79 : vector<128xf32>
    %jit3A_81 = arith.constant 0 : i32
    %reduce_sum3A_82 = arith.constant dense<0.000000e+00> : vector<128xf32>
    %reduce_sum3A_83 = vector.multi_reduction <add>, %add3A_69, %reduce_sum3A_82 [0] : vector<10000x128xf32> to vector<128xf32>
    %broadcast_in_dim3A_84 = vector.shape_cast %reduce_sum3A_83 : vector<128xf32> to vector<1x128xf32>
    %div3A_85 = arith.constant 1.000000e+04 : f32
    %div3A_86 = vector.broadcast %div3A_85 : f32 to vector<1x128xf32>
    %div3A_87 = arith.divf %broadcast_in_dim3A_84, %div3A_86 : vector<1x128xf32>
    %sub3A_88 = vector.broadcast %div3A_87 : vector<1x128xf32> to vector<10000x128xf32>
    %sub3A_89 = arith.subf %add3A_69, %sub3A_88 : vector<10000x128xf32>
    %square3A_90 = arith.mulf %sub3A_89, %sub3A_89 : vector<10000x128xf32>
    %convert_element_type3A_91 = arith.sitofp %jit3A_81 : i32 to f32
    %sub3A_92 = arith.constant 1.000000e+04 : f32
    %sub3A_93 = arith.subf %sub3A_92, %convert_element_type3A_91 : f32
    %reduce_sum3A_94 = arith.constant dense<0.000000e+00> : vector<128xf32>
    %reduce_sum3A_95 = vector.multi_reduction <add>, %square3A_90, %reduce_sum3A_94 [0] : vector<10000x128xf32> to vector<128xf32>
    %div3A_96 = vector.broadcast %sub3A_93 : f32 to vector<128xf32>
    %div3A_97 = arith.divf %reduce_sum3A_95, %div3A_96 : vector<128xf32>
    %gt3A_98 = arith.constant 0.000000e+00 : f32
    %gt3A_99 = arith.cmpf ogt, %sub3A_93, %gt3A_98 : f32
    %jit3A_100 = arith.constant 0x7FC00000 : f32
    %broadcast_in_dim3A_101 = vector.broadcast %jit3A_100 : f32 to vector<128xf32>
    %select_n3A_102 = arith.select %gt3A_99, %div3A_97, %broadcast_in_dim3A_101 : vector<128xf32>
    %broadcast_in_dim3A_103 = vector.shape_cast %div3A_80 : vector<128xf32> to vector<1x128xf32>
    %sub3A_104 = vector.broadcast %broadcast_in_dim3A_103 : vector<1x128xf32> to vector<10000x128xf32>
    %sub3A_105 = arith.subf %add3A_69, %sub3A_104 : vector<10000x128xf32>
    %mul3A_106 = vector.broadcast %get3A_72 : vector<1x128xf32> to vector<10000x128xf32>
    %mul3A_107 = arith.mulf %mul3A_106, %sub3A_105 : vector<10000x128xf32>
    %add3A_108 = arith.constant 9.99999974E-6 : f32
    %add3A_109 = vector.broadcast %add3A_108 : f32 to vector<128xf32>
    %add3A_110 = arith.addf %select_n3A_102, %add3A_109 : vector<128xf32>
    %sqrt3A_111 = math.sqrt %add3A_110 : vector<128xf32>
    %broadcast_in_dim3A_112 = vector.shape_cast %sqrt3A_111 : vector<128xf32> to vector<1x128xf32>
    %div3A_113 = vector.broadcast %broadcast_in_dim3A_112 : vector<1x128xf32> to vector<10000x128xf32>
    %div3A_114 = arith.divf %mul3A_107, %div3A_113 : vector<10000x128xf32>
    %add3A_115 = vector.broadcast %get3A_75 : vector<1x128xf32> to vector<10000x128xf32>
    %add3A_116 = arith.addf %div3A_114, %add3A_115 : vector<10000x128xf32>
    %max3A_117 = arith.constant 0.000000e+00 : f32
    %max3A_118 = vector.broadcast %max3A_117 : f32 to vector<10000x128xf32>
    %max3A_119 = arith.maximumf %add3A_116, %max3A_118 : vector<10000x128xf32>
    %get3A_120 = arith.constant 0 : index
    %get3A_121 = arith.constant 0 : index
    %get3A_122 = vector.load %arg12[%get3A_120, %get3A_121] : memref<1x128xf32, #tpu.memory_space<vmem>>, vector<1x128xf32>
    %get3A_123 = arith.constant 0 : index
    %get3A_124 = arith.constant 0 : index
    %get3A_125 = vector.load %arg13[%get3A_123, %get3A_124] : memref<1x128xf32, #tpu.memory_space<vmem>>, vector<1x128xf32>
    %reduce_sum3A_126 = arith.constant dense<0.000000e+00> : vector<128xf32>
    %reduce_sum3A_127 = vector.multi_reduction <add>, %max3A_119, %reduce_sum3A_126 [0] : vector<10000x128xf32> to vector<128xf32>
    %div3A_128 = arith.constant 1.000000e+04 : f32
    %div3A_129 = vector.broadcast %div3A_128 : f32 to vector<128xf32>
    %div3A_130 = arith.divf %reduce_sum3A_127, %div3A_129 : vector<128xf32>
    %jit3A_131 = arith.constant 0 : i32
    %reduce_sum3A_132 = arith.constant dense<0.000000e+00> : vector<128xf32>
    %reduce_sum3A_133 = vector.multi_reduction <add>, %max3A_119, %reduce_sum3A_132 [0] : vector<10000x128xf32> to vector<128xf32>
    %broadcast_in_dim3A_134 = vector.shape_cast %reduce_sum3A_133 : vector<128xf32> to vector<1x128xf32>
    %div3A_135 = arith.constant 1.000000e+04 : f32
    %div3A_136 = vector.broadcast %div3A_135 : f32 to vector<1x128xf32>
    %div3A_137 = arith.divf %broadcast_in_dim3A_134, %div3A_136 : vector<1x128xf32>
    %sub3A_138 = vector.broadcast %div3A_137 : vector<1x128xf32> to vector<10000x128xf32>
    %sub3A_139 = arith.subf %max3A_119, %sub3A_138 : vector<10000x128xf32>
    %square3A_140 = arith.mulf %sub3A_139, %sub3A_139 : vector<10000x128xf32>
    %convert_element_type3A_141 = arith.sitofp %jit3A_131 : i32 to f32
    %sub3A_142 = arith.constant 1.000000e+04 : f32
    %sub3A_143 = arith.subf %sub3A_142, %convert_element_type3A_141 : f32
    %reduce_sum3A_144 = arith.constant dense<0.000000e+00> : vector<128xf32>
    %reduce_sum3A_145 = vector.multi_reduction <add>, %square3A_140, %reduce_sum3A_144 [0] : vector<10000x128xf32> to vector<128xf32>
    %div3A_146 = vector.broadcast %sub3A_143 : f32 to vector<128xf32>
    %div3A_147 = arith.divf %reduce_sum3A_145, %div3A_146 : vector<128xf32>
    %gt3A_148 = arith.constant 0.000000e+00 : f32
    %gt3A_149 = arith.cmpf ogt, %sub3A_143, %gt3A_148 : f32
    %jit3A_150 = arith.constant 0x7FC00000 : f32
    %broadcast_in_dim3A_151 = vector.broadcast %jit3A_150 : f32 to vector<128xf32>
    %select_n3A_152 = arith.select %gt3A_149, %div3A_147, %broadcast_in_dim3A_151 : vector<128xf32>
    %broadcast_in_dim3A_153 = vector.shape_cast %div3A_130 : vector<128xf32> to vector<1x128xf32>
    %sub3A_154 = vector.broadcast %broadcast_in_dim3A_153 : vector<1x128xf32> to vector<10000x128xf32>
    %sub3A_155 = arith.subf %max3A_119, %sub3A_154 : vector<10000x128xf32>
    %mul3A_156 = vector.broadcast %get3A_122 : vector<1x128xf32> to vector<10000x128xf32>
    %mul3A_157 = arith.mulf %mul3A_156, %sub3A_155 : vector<10000x128xf32>
    %add3A_158 = arith.constant 9.99999974E-6 : f32
    %add3A_159 = vector.broadcast %add3A_158 : f32 to vector<128xf32>
    %add3A_160 = arith.addf %select_n3A_152, %add3A_159 : vector<128xf32>
    %sqrt3A_161 = math.sqrt %add3A_160 : vector<128xf32>
    %broadcast_in_dim3A_162 = vector.shape_cast %sqrt3A_161 : vector<128xf32> to vector<1x128xf32>
    %div3A_163 = vector.broadcast %broadcast_in_dim3A_162 : vector<1x128xf32> to vector<10000x128xf32>
    %div3A_164 = arith.divf %mul3A_157, %div3A_163 : vector<10000x128xf32>
    %add3A_165 = vector.broadcast %get3A_125 : vector<1x128xf32> to vector<10000x128xf32>
    %add3A_166 = arith.addf %div3A_164, %add3A_165 : vector<10000x128xf32>
    %swap3A = arith.constant 0 : index
    %swap3A_167 = arith.constant 0 : index
    %swap3A_168 = vector.load %arg14[%swap3A, %swap3A_167] : memref<10000x128xf32, #tpu.memory_space<vmem>>, vector<10000x128xf32>
    tpu.vector_store %arg14[%swap3A, %swap3A_167], %add3A_166 {strides = array<i32>} : memref<10000x128xf32, #tpu.memory_space<vmem>>, vector<10000x128xf32>,
    return
  }
}

module attributes {stable_mosaic.version = 14 : i64} {
  func.func @_dense_body(%arg0: memref<1xf32, #tpu.memory_space<smem>>, %arg1: memref<10000x128xf32, #tpu.memory_space<vmem>>, %arg2: memref<10112x128xf32, #tpu.memory_space<vmem>>, %arg3: memref<10112x128xf32, #tpu.memory_space<vmem>>, %arg4: memref<128x128xf32, #tpu.memory_space<vmem>>, %arg5: memref<1x128xf32, #tpu.memory_space<vmem>>, %arg6: memref<1x128xf32, #tpu.memory_space<vmem>>, %arg7: memref<1x128xf32, #tpu.memory_space<vmem>>, %arg8: memref<128x128xf32, #tpu.memory_space<vmem>>, %arg9: memref<1x128xf32, #tpu.memory_space<vmem>>, %arg10: memref<1x128xf32, #tpu.memory_space<vmem>>, %arg11: memref<1x128xf32, #tpu.memory_space<vmem>>, %arg12: memref<1x128xf32, #tpu.memory_space<vmem>>, %arg13: memref<1x128xf32, #tpu.memory_space<vmem>>, %arg14: memref<10000x128xf32, #tpu.memory_space<vmem>>) attributes {dimension_semantics = [], scalar_prefetch = 0 : i64, scratch_operands = 0 : i64, tpu.core_type = #tpu.core_type<tc>} {
    %get3A = arith.constant 0 : index
    %get3A_0 = arith.constant 0 : index
    %get3A_1 = vector.load %arg2[%get3A, %get3A_0] : memref<10112x128xf32, #tpu.memory_space<vmem>>, vector<10000x128xf32>
    %get3A_2 = arith.constant 0 : index
    %get3A_3 = arith.constant 0 : index
    %get3A_4 = vector.load %arg3[%get3A_2, %get3A_3] : memref<10112x128xf32, #tpu.memory_space<vmem>>, vector<10000x128xf32>
    %add3A = arith.addf %get3A_1, %get3A_4 : vector<10000x128xf32>
    %get3A_5 = arith.constant 0 : index
    %get3A_6 = arith.constant 0 : index
    %get3A_7 = vector.load %arg1[%get3A_5, %get3A_6] : memref<10000x128xf32, #tpu.memory_space<vmem>>, vector<10000x128xf32>
    %get3A_8 = arith.constant 0 : index
    %get3A_9 = memref.load %arg0[%get3A_8] : memref<1xf32, #tpu.memory_space<smem>>
    %mul3A = vector.broadcast %get3A_9 : f32 to vector<10000x128xf32>
    %mul3A_10 = arith.mulf %get3A_7, %mul3A : vector<10000x128xf32>
    %add3A_11 = arith.addf %mul3A_10, %add3A : vector<10000x128xf32>
    %get3A_12 = arith.constant 0 : index
    %get3A_13 = arith.constant 0 : index
    %get3A_14 = vector.load %arg4[%get3A_12, %get3A_13] : memref<128x128xf32, #tpu.memory_space<vmem>>, vector<128x128xf32>
    %dot_general3A = arith.constant dense<0.000000e+00> : vector<10000x128xf32>
    %dot_general3A_15 = tpu.matmul %add3A_11, %get3A_14, %dot_general3A {dimension_numbers = #tpu.dot_dimension_numbers<[1], [0], [0], [1], [0, 0, 1, 1], [], []>, transpose_lhs_hint = false} : vector<10000x128xf32>, vector<128x128xf32>, vector<10000x128xf32> -> vector<10000x128xf32>
    %get3A_16 = arith.constant 0 : index
    %get3A_17 = arith.constant 0 : index
    %get3A_18 = vector.load %arg5[%get3A_16, %get3A_17] : memref<1x128xf32, #tpu.memory_space<vmem>>, vector<1x128xf32>
    %add3A_19 = vector.broadcast %get3A_18 : vector<1x128xf32> to vector<10000x128xf32>
    %add3A_20 = arith.addf %dot_general3A_15, %add3A_19 : vector<10000x128xf32>
    %get3A_21 = arith.constant 0 : index
    %get3A_22 = arith.constant 0 : index
    %get3A_23 = vector.load %arg6[%get3A_21, %get3A_22] : memref<1x128xf32, #tpu.memory_space<vmem>>, vector<1x128xf32>
    %get3A_24 = arith.constant 0 : index
    %get3A_25 = arith.constant 0 : index
    %get3A_26 = vector.load %arg7[%get3A_24, %get3A_25] : memref<1x128xf32, #tpu.memory_space<vmem>>, vector<1x128xf32>
    %reduce_sum3A = arith.constant dense<0.000000e+00> : vector<128xf32>
    %reduce_sum3A_27 = vector.multi_reduction <add>, %add3A_20, %reduce_sum3A [0] : vector<10000x128xf32> to vector<128xf32>
    %div3A = arith.constant 1.000000e+04 : f32
    %div3A_28 = vector.broadcast %div3A : f32 to vector<128xf32>
    %div3A_29 = arith.divf %reduce_sum3A_27, %div3A_28 : vector<128xf32>
    %jit3A = arith.constant 0 : i32
    %reduce_sum3A_30 = arith.constant dense<0.000000e+00> : vector<128xf32>
    %reduce_sum3A_31 = vector.multi_reduction <add>, %add3A_20, %reduce_sum3A_30 [0] : vector<10000x128xf32> to vector<128xf32>
    %broadcast_in_dim3A = vector.shape_cast %reduce_sum3A_31 : vector<128xf32> to vector<1x128xf32>
    %div3A_32 = arith.constant 1.000000e+04 : f32
    %div3A_33 = vector.broadcast %div3A_32 : f32 to vector<1x128xf32>
    %div3A_34 = arith.divf %broadcast_in_dim3A, %div3A_33 : vector<1x128xf32>
    %sub3A = vector.broadcast %div3A_34 : vector<1x128xf32> to vector<10000x128xf32>
    %sub3A_35 = arith.subf %add3A_20, %sub3A : vector<10000x128xf32>
    %square3A = arith.mulf %sub3A_35, %sub3A_35 : vector<10000x128xf32>
    %convert_element_type3A = arith.sitofp %jit3A : i32 to f32
    %sub3A_36 = arith.constant 1.000000e+04 : f32
    %sub3A_37 = arith.subf %sub3A_36, %convert_element_type3A : f32
    %reduce_sum3A_38 = arith.constant dense<0.000000e+00> : vector<128xf32>
    %reduce_sum3A_39 = vector.multi_reduction <add>, %square3A, %reduce_sum3A_38 [0] : vector<10000x128xf32> to vector<128xf32>
    %div3A_40 = vector.broadcast %sub3A_37 : f32 to vector<128xf32>
    %div3A_41 = arith.divf %reduce_sum3A_39, %div3A_40 : vector<128xf32>
    %gt3A = arith.constant 0.000000e+00 : f32
    %gt3A_42 = arith.cmpf ogt, %sub3A_37, %gt3A : f32
    %jit3A_43 = arith.constant 0x7FC00000 : f32
    %broadcast_in_dim3A_44 = vector.broadcast %jit3A_43 : f32 to vector<128xf32>
    %select_n3A = arith.select %gt3A_42, %div3A_41, %broadcast_in_dim3A_44 : vector<128xf32>
    %broadcast_in_dim3A_45 = vector.shape_cast %div3A_29 : vector<128xf32> to vector<1x128xf32>
    %sub3A_46 = vector.broadcast %broadcast_in_dim3A_45 : vector<1x128xf32> to vector<10000x128xf32>
    %sub3A_47 = arith.subf %add3A_20, %sub3A_46 : vector<10000x128xf32>
    %mul3A_48 = vector.broadcast %get3A_23 : vector<1x128xf32> to vector<10000x128xf32>
    %mul3A_49 = arith.mulf %mul3A_48, %sub3A_47 : vector<10000x128xf32>
    %add3A_50 = arith.constant 9.99999974E-6 : f32
    %add3A_51 = vector.broadcast %add3A_50 : f32 to vector<128xf32>
    %add3A_52 = arith.addf %select_n3A, %add3A_51 : vector<128xf32>
    %sqrt3A = math.sqrt %add3A_52 : vector<128xf32>
    %broadcast_in_dim3A_53 = vector.shape_cast %sqrt3A : vector<128xf32> to vector<1x128xf32>
    %div3A_54 = vector.broadcast %broadcast_in_dim3A_53 : vector<1x128xf32> to vector<10000x128xf32>
    %div3A_55 = arith.divf %mul3A_49, %div3A_54 : vector<10000x128xf32>
    %add3A_56 = vector.broadcast %get3A_26 : vector<1x128xf32> to vector<10000x128xf32>
    %add3A_57 = arith.addf %div3A_55, %add3A_56 : vector<10000x128xf32>
    %max3A = arith.constant 0.000000e+00 : f32
    %max3A_58 = vector.broadcast %max3A : f32 to vector<10000x128xf32>
    %max3A_59 = arith.maximumf %add3A_57, %max3A_58 : vector<10000x128xf32>
    %get3A_60 = arith.constant 0 : index
    %get3A_61 = arith.constant 0 : index
    %get3A_62 = vector.load %arg8[%get3A_60, %get3A_61] : memref<128x128xf32, #tpu.memory_space<vmem>>, vector<128x128xf32>
    %dot_general3A_63 = arith.constant dense<0.000000e+00> : vector<10000x128xf32>
    %dot_general3A_64 = tpu.matmul %max3A_59, %get3A_62, %dot_general3A_63 {dimension_numbers = #tpu.dot_dimension_numbers<[1], [0], [0], [1], [0, 0, 1, 1], [], []>, transpose_lhs_hint = false} : vector<10000x128xf32>, vector<128x128xf32>, vector<10000x128xf32> -> vector<10000x128xf32>
    %get3A_65 = arith.constant 0 : index
    %get3A_66 = arith.constant 0 : index
    %get3A_67 = vector.load %arg9[%get3A_65, %get3A_66] : memref<1x128xf32, #tpu.memory_space<vmem>>, vector<1x128xf32>
    %add3A_68 = vector.broadcast %get3A_67 : vector<1x128xf32> to vector<10000x128xf32>
    %add3A_69 = arith.addf %dot_general3A_64, %add3A_68 : vector<10000x128xf32>
    %get3A_70 = arith.constant 0 : index
    %get3A_71 = arith.constant 0 : index
    %get3A_72 = vector.load %arg10[%get3A_70, %get3A_71] : memref<1x128xf32, #tpu.memory_space<vmem>>, vector<1x128xf32>
    %get3A_73 = arith.constant 0 : index
    %get3A_74 = arith.constant 0 : index
    %get3A_75 = vector.load %arg11[%get3A_73, %get3A_74] : memref<1x128xf32, #tpu.memory_space<vmem>>, vector<1x128xf32>
    %reduce_sum3A_76 = arith.constant dense<0.000000e+00> : vector<128xf32>
    %reduce_sum3A_77 = vector.multi_reduction <add>, %add3A_69, %reduce_sum3A_76 [0] : vector<10000x128xf32> to vector<128xf32>
    %div3A_78 = arith.constant 1.000000e+04 : f32
    %div3A_79 = vector.broadcast %div3A_78 : f32 to vector<128xf32>
    %div3A_80 = arith.divf %reduce_sum3A_77, %div3A_79 : vector<128xf32>
    %jit3A_81 = arith.constant 0 : i32
    %reduce_sum3A_82 = arith.constant dense<0.000000e+00> : vector<128xf32>
    %reduce_sum3A_83 = vector.multi_reduction <add>, %add3A_69, %reduce_sum3A_82 [0] : vector<10000x128xf32> to vector<128xf32>
    %broadcast_in_dim3A_84 = vector.shape_cast %reduce_sum3A_83 : vector<128xf32> to vector<1x128xf32>
    %div3A_85 = arith.constant 1.000000e+04 : f32
    %div3A_86 = vector.broadcast %div3A_85 : f32 to vector<1x128xf32>
    %div3A_87 = arith.divf %broadcast_in_dim3A_84, %div3A_86 : vector<1x128xf32>
    %sub3A_88 = vector.broadcast %div3A_87 : vector<1x128xf32> to vector<10000x128xf32>
    %sub3A_89 = arith.subf %add3A_69, %sub3A_88 : vector<10000x128xf32>
    %square3A_90 = arith.mulf %sub3A_89, %sub3A_89 : vector<10000x128xf32>
    %convert_element_type3A_91 = arith.sitofp %jit3A_81 : i32 to f32
    %sub3A_92 = arith.constant 1.000000e+04 : f32
    %sub3A_93 = arith.subf %sub3A_92, %convert_element_type3A_91 : f32
    %reduce_sum3A_94 = arith.constant dense<0.000000e+00> : vector<128xf32>
    %reduce_sum3A_95 = vector.multi_reduction <add>, %square3A_90, %reduce_sum3A_94 [0] : vector<10000x128xf32> to vector<128xf32>
    %div3A_96 = vector.broadcast %sub3A_93 : f32 to vector<128xf32>
    %div3A_97 = arith.divf %reduce_sum3A_95, %div3A_96 : vector<128xf32>
    %gt3A_98 = arith.constant 0.000000e+00 : f32
    %gt3A_99 = arith.cmpf ogt, %sub3A_93, %gt3A_98 : f32
    %jit3A_100 = arith.constant 0x7FC00000 : f32
    %broadcast_in_dim3A_101 = vector.broadcast %jit3A_100 : f32 to vector<128xf32>
    %select_n3A_102 = arith.select %gt3A_99, %div3A_97, %broadcast_in_dim3A_101 : vector<128xf32>
    %broadcast_in_dim3A_103 = vector.shape_cast %div3A_80 : vector<128xf32> to vector<1x128xf32>
    %sub3A_104 = vector.broadcast %broadcast_in_dim3A_103 : vector<1x128xf32> to vector<10000x128xf32>
    %sub3A_105 = arith.subf %add3A_69, %sub3A_104 : vector<10000x128xf32>
    %mul3A_106 = vector.broadcast %get3A_72 : vector<1x128xf32> to vector<10000x128xf32>
    %mul3A_107 = arith.mulf %mul3A_106, %sub3A_105 : vector<10000x128xf32>
    %add3A_108 = arith.constant 9.99999974E-6 : f32
    %add3A_109 = vector.broadcast %add3A_108 : f32 to vector<128xf32>
    %add3A_110 = arith.addf %select_n3A_102, %add3A_109 : vector<128xf32>
    %sqrt3A_111 = math.sqrt %add3A_110 : vector<128xf32>
    %broadcast_in_dim3A_112 = vector.shape_cast %sqrt3A_111 : vector<128xf32> to vector<1x128xf32>
    %div3A_113 = vector.broadcast %broadcast_in_dim3A_112 : vector<1x128xf32> to vector<10000x128xf32>
    %div3A_114 = arith.divf %mul3A_107, %div3A_113 : vector<10000x128xf32>
    %add3A_115 = vector.broadcast %get3A_75 : vector<1x128xf32> to vector<10000x128xf32>
    %add3A_116 = arith.addf %div3A_114, %add3A_115 : vector<10000x128xf32>
    %max3A_117 = arith.constant 0.000000e+00 : f32
    %max3A_118 = vector.broadcast %max3A_117 : f32 to vector<10000x128xf32>
    %max3A_119 = arith.maximumf %add3A_116, %max3A_118 : vector<10000x128xf32>
    %get3A_120 = arith.constant 0 : index
    %get3A_121 = arith.constant 0 : index
    %get3A_122 = vector.load %arg12[%get3A_120, %get3A_121] : memref<1x128xf32, #tpu.memory_space<vmem>>, vector<1x128xf32>
    %get3A_123 = arith.constant 0 : index
    %get3A_124 = arith.constant 0 : index
    %get3A_125 = vector.load %arg13[%get3A_123, %get3A_124] : memref<1x128xf32, #tpu.memory_space<vmem>>, vector<1x128xf32>
    %reduce_sum3A_126 = arith.constant dense<0.000000e+00> : vector<128xf32>
    %reduce_sum3A_127 = vector.multi_reduction <add>, %max3A_119, %reduce_sum3A_126 [0] : vector<10000x128xf32> to vector<128xf32>
    %div3A_128 = arith.constant 1.000000e+04 : f32
    %div3A_129 = vector.broadcast %div3A_128 : f32 to vector<128xf32>
    %div3A_130 = arith.divf %reduce_sum3A_127, %div3A_129 : vector<128xf32>
    %jit3A_131 = arith.constant 0 : i32
    %reduce_sum3A_132 = arith.constant dense<0.000000e+00> : vector<128xf32>
    %reduce_sum3A_133 = vector.multi_reduction <add>, %max3A_119, %reduce_sum3A_132 [0] : vector<10000x128xf32> to vector<128xf32>
    %broadcast_in_dim3A_134 = vector.shape_cast %reduce_sum3A_133 : vector<128xf32> to vector<1x128xf32>
    %div3A_135 = arith.constant 1.000000e+04 : f32
    %div3A_136 = vector.broadcast %div3A_135 : f32 to vector<1x128xf32>
    %div3A_137 = arith.divf %broadcast_in_dim3A_134, %div3A_136 : vector<1x128xf32>
    %sub3A_138 = vector.broadcast %div3A_137 : vector<1x128xf32> to vector<10000x128xf32>
    %sub3A_139 = arith.subf %max3A_119, %sub3A_138 : vector<10000x128xf32>
    %square3A_140 = arith.mulf %sub3A_139, %sub3A_139 : vector<10000x128xf32>
    %convert_element_type3A_141 = arith.sitofp %jit3A_131 : i32 to f32
    %sub3A_142 = arith.constant 1.000000e+04 : f32
    %sub3A_143 = arith.subf %sub3A_142, %convert_element_type3A_141 : f32
    %reduce_sum3A_144 = arith.constant dense<0.000000e+00> : vector<128xf32>
    %reduce_sum3A_145 = vector.multi_reduction <add>, %square3A_140, %reduce_sum3A_144 [0] : vector<10000x128xf32> to vector<128xf32>
    %div3A_146 = vector.broadcast %sub3A_143 : f32 to vector<128xf32>
    %div3A_147 = arith.divf %reduce_sum3A_145, %div3A_146 : vector<128xf32>
    %gt3A_148 = arith.constant 0.000000e+00 : f32
    %gt3A_149 = arith.cmpf ogt, %sub3A_143, %gt3A_148 : f32
    %jit3A_150 = arith.constant 0x7FC00000 : f32
    %broadcast_in_dim3A_151 = vector.broadcast %jit3A_150 : f32 to vector<128xf32>
    %select_n3A_152 = arith.select %gt3A_149, %div3A_147, %broadcast_in_dim3A_151 : vector<128xf32>
    %broadcast_in_dim3A_153 = vector.shape_cast %div3A_130 : vector<128xf32> to vector<1x128xf32>
    %sub3A_154 = vector.broadcast %broadcast_in_dim3A_153 : vector<1x128xf32> to vector<10000x128xf32>
    %sub3A_155 = arith.subf %max3A_119, %sub3A_154 : vector<10000x128xf32>
    %mul3A_156 = vector.broadcast %get3A_122 : vector<1x128xf32> to vector<10000x128xf32>
    %mul3A_157 = arith.mulf %mul3A_156, %sub3A_155 : vector<10000x128xf32>
    %add3A_158 = arith.constant 9.99999974E-6 : f32
    %add3A_159 = vector.broadcast %add3A_158 : f32 to vector<128xf32>
    %add3A_160 = arith.addf %select_n3A_152, %add3A_159 : vector<128xf32>
    %sqrt3A_161 = math.sqrt %add3A_160 : vector<128xf32>
    %broadcast_in_dim3A_162 = vector.shape_cast %sqrt3A_161 : vector<128xf32> to vector<1x128xf32>
    %div3A_163 = vector.broadcast %broadcast_in_dim3A_162 : vector<1x128xf32> to vector<10000x128xf32>
    %div3A_164 = arith.divf %mul3A_157, %div3A_163 : vector<10000x128xf32>
    %add3A_165 = vector.broadcast %get3A_125 : vector<1x128xf32> to vector<10000x128xf32>
    %add3A_166 = arith.addf %div3A_164, %add3A_165 : vector<10000x128xf32>
    %max3A_167 = arith.constant 0.000000e+00 : f32
    %max3A_168 = vector.broadcast %max3A_167 : f32 to vector<10000x128xf32>
    %max3A_169 = arith.maximumf %add3A_166, %max3A_168 : vector<10000x128xf32>
    %swap3A = arith.constant 0 : index
    %swap3A_170 = arith.constant 0 : index
    %swap3A_171 = vector.load %arg14[%swap3A, %swap3A_170] : memref<10000x128xf32, #tpu.memory_space<vmem>>, vector<10000x128xf32>
    tpu.vector_store %arg14[%swap3A, %swap3A_170], %max3A_169 {strides = array<i32>} : memref<10000x128xf32, #tpu.memory_space<vmem>>, vector<10000x128xf32>,
    return
  }
}

</mosaic_0001>

<sc_bundles>
// kernel: kernel.11.cloned.1.call-start
scs
__scs_entry_jumppad:
0x0: {  	(pc) =	sbr.rel $0x88, $3  }
0x1: {  	(tag) =	ssettag $0x0;
	lr =	simm.s32 $0x1  }
0x2: {  	[smem:$0x3F94] =	sst lr;
	_ =	strace $0xD0000000  }
0x3: {  	_ = 	snop  }
0x4: {  	_ = 	snop  }
0x5: {  	_ = 	snop  }
0x6: {  	_ = 	snop  }
0x7: {  	_ = 	snop  }
__scs_overlays_trampoline_lowered:
0x8: {  	[smem:$0x3FA3] =	sst s0  }
0x9: {  	[smem:$0x3FA4] =	sst s1  }
0xa: {  	[smem:$0x3FA5] =	sst s2  }
0xb: {  	[smem:$0x3FA6] =	sst s3  }
0xc: {  	[smem:$0x3FA7] =	sst s4  }
0xd: {  	[smem:$0x3FA8] =	sst s5  }
0xe: {  	[smem:$0x3FA9] =	sst s6  }
0xf: {  	[smem:$0x3FAA] =	sst s7  }
0x10: {  	[smem:$0x3FAB] =	sst s8  }
0x11: {  	[smem:$0x3FAC] =	sst s9;
	s0 =	simm.s32 @!p0 $0x0  }
0x12: {  	s1 =	sld [smem:$0x3F92];
	s0 =	simm.s32 @p0 $0x1  }
0x13: {  	[smem:$0x3FAD] =	sst s0;
	s0 =	simm.s32 @!p1 $0x0  }
0x14: {  	s2 =	sld [smem:$0x3F91];
	s0 =	simm.s32 @p1 $0x1  }
0x15: {  	[smem:$0x3FAE] =	sst s0;
	s0 =	simm.s32 @!p2 $0x0  }
0x16: {  	s3 =	sld [smem:$0x3FDB];
	s0 =	simm.s32 @p2 $0x1  }
0x17: {  	s4 =	simm.s32 $0x1BF5;
	[smem:$0x3FB0] =	sst s0  }
0x18: {  	s0 =	sld [smem:$0x3F93];
	_ =	swait.ge [sflag:s4], $0x0  }
0x19: {  	s7 =	sld [smem:$0x3F94]  }
0x1a: {  	s8 =	sadd.s32 $0xFFFFE003, lr  }
0x1b: {  	s9 =	sadd.s32 $0xFFFFFEF7, lr;
	s5 =	simm.s32 $0xFFFFFFFF;
	p2 =	slt.u32 s8, $0xFFFFF086  }
0x1c: {  	p1 =	slt.u32 s9, $0xF7A;
	s5 =	simm.s32 @!p2 $0x0  }
0x1d: {  	s5 =	simm.s32 @p1 $0x1;
	p0 =	seq.s32 s7, s2  }
0x1e: {  	s7 =	smul.u32 @!p0 $0xF7A, s2;
	p2 =	seq.s32 @!p0 s5, $0x0  }
0x1f: {  	s9 =	smul.u32 $0xF7A, s1;
	s8 =	simm.s32 @!p0 $0x1BF5;
	p2 =	por !p2, p0  }
0x20: {  	[sflag:s8] =	ssyncset.s32 @!p0 $0xFFFFF086;
	s6 =	sadd.s32 @!p0 s3, s7;
	s7 =	simm.s32 @!p0 $0x108  }
0x21: {  	s3 =	sadd.s32 s3, s9;
	s6 =	sadd.s32 @!p0 $0x88, s6;
	s7 =	simm.s32 @p2 $0x1082  }
0x22: {  	[simem:s7], [sflag:s8] =	dma.local @!p0 [hbm:s6], $0xF7A  }
0x23: {  	s9 =	sor.u32 $0xD0000000, s2;
	s6 =	simm.s32 $0x108;
	_ =	swait.ge @!p0 [sflag:s8], $0x0  }
0x24: {  	s3 =	sadd.s32 $0x88, s3;
	s6 =	simm.s32 @!p1 $0x1082;
	[sflag:s4] =	ssyncset.s32 $0xFFFFF086  }
0x25: {  	[simem:s6], [sflag:s4] =	dma.local [hbm:s3], $0xF7A  }
0x26: {  	[smem:$0x3F94] =	sst s1;
	(tag) =	ssettag s2;
	_ =	strace s9  }
0x27: {  	s1 =	sld [smem:$0x3FA4]  }
0x28: {  	s2 =	sld [smem:$0x3FA5]  }
0x29: {  	s4 =	sld [smem:$0x3FA7]  }
0x2a: {  	p0 =	seq.s32 s5, $0x0;
	s5 =	sld [smem:$0x3FA8]  }
0x2b: {  	s6 =	sld [smem:$0x3FA9]  }
0x2c: {  	s7 =	sld [smem:$0x3FAA]  }
0x2d: {  	s3 =	simm.s32 $0x108;
	s8 =	sld [smem:$0x3FAB]  }
0x2e: {  	s3 =	simm.s32 @!p0 $0x1082;
	s9 =	sld [smem:$0x3FAC]  }
0x2f: {  	lr =	sadd.s32 s0, s3;
	s0 =	sld [smem:$0x3FA3]  }
0x30: {  	s3 =	sld [smem:$0x3FA6]  }
0x31: {  	[smem:$0x3FAF] =	sst s10  }
0x32: {  	s10 =	sld [smem:$0x3FAD];
	_ =	sdelay $0x3  }
0x33: {  	p0 =	seq.s32 s10, $0x1;
	s10 =	sld [smem:$0x3FAF];
	_ =	sdelay $0x3  }
0x34: {  	[smem:$0x3FAF] =	sst s10  }
0x35: {  	s10 =	sld [smem:$0x3FAE];
	_ =	sdelay $0x3  }
0x36: {  	p1 =	seq.s32 s10, $0x1;
	s10 =	sld [smem:$0x3FAF];
	_ =	sdelay $0x3  }
0x37: {  	[smem:$0x3FAF] =	sst s10  }
0x38: {  	s10 =	sld [smem:$0x3FB0]  }
0x39: {  	_ = 	snop;
	(pc) =	sbr.ind lr, $3  }
0x3a: {  	_ = 	snop  }
0x3b: {  	_ = 	snop  }
0x3c: {  	p2 =	seq.s32 s10, $0x1;
	s10 =	sld [smem:$0x3FAF]  }
0x3d: {  	_ =	shalt  }
0x3e: {  	_ =	shalt  }
0x3f: {  	_ =	shalt  }
0x40: {  	_ =	shalt  }
0x41: {  	_ =	shalt  }
0x42: {  	_ =	shalt  }
0x43: {  	_ =	shalt  }
0x44: {  	_ =	shalt  }
0x45: {  	_ =	shalt  }
0x46: {  	_ =	shalt  }
0x47: {  	_ =	shalt  }
0x48: {  	_ =	shalt  }
0x49: {  	_ =	shalt  }
0x4a: {  	_ =	shalt  }
0x4b: {  	_ =	shalt  }
0x4c: {  	_ =	shalt  }
0x4d: {  	_ =	shalt  }
0x4e: {  	_ =	shalt  }
0x4f: {  	_ =	shalt  }
0x50: {  	_ =	shalt  }
0x51: {  	_ =	shalt  }
0x52: {  	_ =	shalt  }
0x53: {  	_ =	shalt  }
0x54: {  	_ =	shalt  }
0x55: {  	_ =	shalt  }
0x56: {  	_ =	shalt  }
0x57: {  	_ =	shalt  }
0x58: {  	_ =	shalt  }
0x59: {  	_ =	shalt  }
0x5a: {  	_ =	shalt  }
0x5b: {  	_ =	shalt  }
0x5c: {  	_ =	shalt  }
0x5d: {  	_ =	shalt  }
0x5e: {  	_ =	shalt  }
0x5f: {  	_ =	shalt  }
0x60: {  	_ =	shalt  }
0x61: {  	_ =	shalt  }
0x62: {  	_ =	shalt  }
0x63: {  	_ =	shalt  }
0x64: {  	_ =	shalt  }
0x65: {  	_ =	shalt  }
0x66: {  	_ =	shalt  }
0x67: {  	_ =	shalt  }
0x68: {  	_ =	shalt  }
0x69: {  	_ =	shalt  }
0x6a: {  	_ =	shalt  }
0x6b: {  	_ =	shalt  }
0x6c: {  	_ =	shalt  }
0x6d: {  	_ =	shalt  }
0x6e: {  	_ =	shalt  }
0x6f: {  	_ =	shalt  }
0x70: {  	_ =	shalt  }
0x71: {  	_ =	shalt  }
0x72: {  	_ =	shalt  }
0x73: {  	_ =	shalt  }
0x74: {  	_ =	shalt  }
0x75: {  	_ =	shalt  }
0x76: {  	_ =	shalt  }
0x77: {  	_ =	shalt  }
0x78: {  	_ =	shalt  }
0x79: {  	_ =	shalt  }
0x7a: {  	_ =	shalt  }
0x7b: {  	_ =	shalt  }
0x7c: {  	_ =	shalt  }
0x7d: {  	_ =	shalt  }
0x7e: {  	_ =	shalt  }
0x7f: {  	_ =	shalt  }
0x80: {  	_ =	shalt  }
0x81: {  	_ =	shalt  }
0x82: {  	_ =	shalt  }
0x83: {  	_ =	shalt  }
0x84: {  	_ =	shalt  }
0x85: {  	_ =	shalt  }
0x86: {  	_ =	shalt  }
0x87: {  	_ =	shalt  }
.Lfunc_end0:
.L_simem_size_0:
called_computation.1_lowered:
.L_overlay_start_0:
0x88: {  	s2 =	sld [smem:$0x3FD9]  }
0x89: {  	s3 =	sld [smem:$0x3FFE];
	_ =	sdelay $0x1  }
0x8a: {  	s1 =	srdreg.scid  }
0x8b: {  	s0 =	sand.u32 $0x1, s1  }
0x8c: {  	s17 =	sshll.u32 s0, $0xA;
	s2 =	sadd.s32 s3, s2  }
0x8d: {  	s2 =	sadd.s32 s2, s17  }
0x8e: {  	[smem:$0x3FBB] =	sst s2  }
0x8f: {  	_ = 	snop  }
0x90: {  	s2 =	sld [smem:$0x3FD0];
	(tm) =	ssettm $0x1  }
0x91: {  	s18 =	sld [smem:$0x3FFB];
	_ =	sdelay $0x3  }
0x92: {  	_ =	strace s18  }
0x93: {  	s3 =	sld [smem:$0x3FFC];
	_ =	sdelay $0x3  }
0x94: {  	_ =	strace s3  }
0x95: {  	s3 =	sld [smem:$0x3FFD];
	_ =	sdelay $0x3  }
0x96: {  	_ =	strace s3  }
0x97: {  	_ =	strace $0x8FFFFFFF  }
0x98: {  	s19 =	sld [smem:$0x3FDB];
	_ =	sdelay $0x1  }
0x99: {  	s4 =	simm.s32 $_scs_section_size  }
0x9a: {  	s5 =	simm.s32 $_size__tile_overlayer_lowered;
	s6 =	simm.s32 $_tile_overlayer_lowered  }
0x9b: {  	s22 =	simm.s32 $0x1BFF;
	s21 =	sshll.u32 s6, $0x1;
	s3 =	sadd.s32 s4, s19  }
0x9c: {  	s7 =	simm.s32 $0x0;
	s20 =	sshll.u32 s5, $0x1;
	s5 =	sadd.s32 s21, s3  }
0x9d: {  	[timem:s7], [sflag:s22] =	dma.local [hbm:s5], s20  }
0x9e: {  	_ =	swait.ge [sflag:s22], s20  }
0x9f: {  	s4 =	ssub.s32 $0x0, s20;
	[sflag:s22] =	ssyncset.done $0x0  }
0xa0: {  	[sflag:s22] =	ssyncadd.s32 s4;
	_ =	sdelay $0x1  }
0xa1: {  	s23 =	simm.s32 $0x1B8B  }
0xa2: {  	_ =	swait.ge [sflag:s23], $0x1  }
0xa3: {  	[sflag:s23] =	ssyncset.done $0x0  }
0xa4: {  	s25 =	simm.s32 $0x1B8E;
	s24 =	sld [smem:$0x3FFE];
	[sflag:s23] =	ssyncadd.s32 $0xFFFFFFFF  }
0xa5: {  	s26 =	simm.s32 $execute0_lowered;
	[smem:$0x3FD2] =	sst s25  }
0xa6: {  	s5 =	sshll.u32 s26, $0x1;
	_ =	strace $0x80000049;
	[dreg:$0x1] =	wrdreg $0xFFFFFFFF  }
0xa7: {  	s28 =	simm.s32 $_size_execute0_lowered;
	s3 =	sadd.s32 s3, s5;
	[dreg:$0x0] =	wrdreg $0x0  }
0xa8: {  	s5 =	sshll.u32 s28, $0x1;
	[dreg:$0x2] =	wrdreg s3  }
0xa9: {  	[dreg:$0x3] =	wrdreg s5  }
0xaa: {  	[dreg:$0x4] =	wrdreg $0xC0  }
0xab: {  	_ =	task [dreg:s7], $0x5FFFF  }
0xac: {  	[dreg:$0x1] =	wrdreg $0xFFFFFFFF  }
0xad: {  	[dreg:$0x0] =	wrdreg $0x60  }
0xae: {  	[dreg:$0x2] =	wrdreg s2  }
0xaf: {  	[dreg:$0x3] =	wrdreg s24  }
0xb0: {  	[dreg:$0x4] =	wrdreg $0x0  }
0xb1: {  	[dreg:$0x5] =	wrdreg $0x9  }
0xb2: {  	_ =	task.clear_ibuf [dreg:s7], $0x6FFFF;
	_ =	strace $0x90000049  }
0xb3: {  	s29 =	simm.s32 $0x9;
	_ =	strace $0x8000004B  }
0xb4: {  	_ =	swait.ge [sflag:s29], $0x1  }
0xb5: {  	[sflag:s29] =	ssyncadd.s32 $0xFFFFFFFF  }
0xb6: {  	_ =	strace $0x9000004B  }
0xb7: {  	_ =	sfence  }
0xb8: {  	s30 =	sld [smem:$0x0];
	_ =	sdelay $0x2  }
0xb9: {  	s31 =	sshll.u32 s1, $0xD;
	s1 =	sshrl.u32 s1, $0x2  }
0xba: {  	s3 =	sand.u32 $0x4000, s31;
	s1 =	sadd.s32 s1, s30  }
0xbb: {  	s0 =	sor.u32 s3, s0;
	s1 =	sshll.u32 s1, $0x11  }
0xbc: {  	s0 =	sor.u32 s1, s0  }
0xbd: {  	s0 =	sadd.s32 $0x8F2B, s0  }
0xbe: {  	[sflag:s0] =	ssyncadd.remote.s32 $0x1  }
0xbf: {  	_ =	sfence.sel $0xFFFF  }
0xc0: {  	[dreg:$0x0] =	wrdreg $0xFFFFFFFF;
	(pc) =	sbr.abs _section_cstart, $3  }
0xc1: {  	[dreg:$0x1] =	wrdreg $0xFFFFFFFF  }
0xc2: {  	_ =	task.clear_ibuf [dreg:s7], $0x2FFFF;
	_ =	strace $0x9FFFFFFF  }
0xc3: {  	(tm) =	ssettm $0x7FFFFFFF  }
tec
execute0_lowered:
.L_overlay_start_1:
0x0: {  	(tag) =	ssettag $0x1  }
0x1: {  	s1 =	rddreg [dreg:$0x0]  }
0x2: {  	s0 =	rddreg [dreg:$0x1]  }
0x3: {  	s2 =	rddreg [dreg:$0x2]  }
0x4: {  	s3 =	srdreg.scid;
	s4 =	simm.s32 $0x0;
	s9 =	stileid.u32  }
0x5: {  	s18 =	simm.s32 $0x7;
	s19 =	simm.s32 $0x13C00;
	s28 =	simm.s32 $0x4  }
0x6: {  	s29 =	simm.s32 $0x6;
	s30 =	simm.s32 $0x17E00;
	s31 =	simm.s32 $0x1  }
0x7: {  	s3 =	sand.u32 $0x1, s3;
	[smem:$0x7FF] =	sst s4;
	s6 =	smul.u32 $0x13C00, s9  }
0x8: {  	s11 =	sadd.s32 $0xE800, s0;
	s15 =	sadd.s32 $0x4800, s0;
	s21 =	smul.u32 $0x4F000, s9  }
0x9: {  	s7 =	sadd.s32 $0x18800, s0;
	s20 =	sshll.u32 s9, $0x1;
	s10 =	smul.u32 $0x5000, s9  }
0xa: {  	s23 =	sshll.u32 s9, $0x6;
	s5 =	smul.u32 $0x13C000, s3;
	s22 =	ssub.s32 $0x2, s3  }
0xb: {  	_ =	strace $0x8000004A;
	[dreg:$0x4] =	wrdreg s7;
	s8 =	sshrl.u32 s22, $0x1  }
0xc: {  	s7 =	sshrl.u32 s21, $0x2;
	s21 =	simm.s32 $0x13C80;
	s5 =	sadd.s32 s6, s5  }
0xd: {  	s6 =	sor.u32 s3, s20;
	s17 =	sadd.s32 s7, s2;
	s3 =	smul.u32 $0x2800, s3  }
0xe: {  	s20 =	simm.s32 $0x13D00;
	s5 =	sshrl.u32 s5, $0x3;
	s6 =	smul.u32 $0x2800, s6  }
0xf: {  	s17 =	sshrl.u32 s17, $0x3;
	s0 =	sadd.s32 s5, s0;
	s5 =	ssub.s32 s22, s8  }
0x10: {  	s3 =	sadd.s32 s3, s10;
	s22 =	simm.s32 $0x13D80;
	s24 =	sshrl.u32 s6, $0x3  }
0x11: {  	s6 =	sor.u32 $0x1C07, s23;
	s0 =	sadd.s32 $0x1B000, s0;
	s25 =	sor.u32 $0x180, s3  }
0x12: {  	s5 =	smax.u32 s5, $0x1;
	s3 =	sor.u32 $0x100, s3;
	s23 =	simm.s32 $0x3  }
0x13: {  	s7 =	sadd.s32 s11, s24;
	s12 =	sor.u32 $0x10, s24;
	[dreg:$0x5] =	wrdreg s0  }
0x14: {  	s8 =	sadd.s32 s15, s24;
	[dreg:$0x6] =	wrdreg s5;
	s0 =	sshrl.u32 s25, $0x3  }
0x15: {  	s26 =	sshrl.u32 s3, $0x3;
	s24 =	simm.s32 $0x5;
	s25 =	simm.s32 $0x80  }
0x16: {  	s3 =	simm.s32 $0x0;
	s9 =	sadd.s32 s11, s12;
	s10 =	sadd.s32 s15, s12  }
0x17: {  	s13 =	sadd.s32 s0, s15;
	s14 =	sadd.s32 s0, s11;
	s15 =	sadd.s32 s26, s15  }
0x18: {  	s16 =	sadd.s32 s26, s11;
	s26 =	simm.s32 $0x13E00;
	s0 =	simm.s32 $0x2  }
.LBB2_1:
0x19: {  	s5 =	rddreg [dreg:$0x4]  }
0x1a: {  	[spmem:s17], [sflag:s6] =	dma.local [hbm:s5], $0x2780  }
0x1b: {  	_ =	swait.ge [sflag:s18], $0x2780  }
0x1c: {  	[sflag:s18] =	ssyncset.done $0x0  }
0x1d: {  	[sflag:s18] =	ssyncadd.s32 $0xFFFFD880  }
0x1e: {  	[tilespmem:s19], [sflag:$0x3] =	stream.linear.gather [hbm4b:s7+s4], $0x80, $0x38;
	[tilespmem:$0x1BE00] =	vst v63  }
0x1f: {  	_ = 	snop  }
0x20: {  	[tilespmem:s20], [sflag:$0x5] =	stream.linear.gather [hbm4b:s8+s4], $0x80, $0x38;
	[tilespmem:$0x1BE00] =	vst v63  }
0x21: {  	_ = 	snop  }
0x22: {  	[tilespmem:s21], [sflag:$0x4] =	stream.linear.gather [hbm4b:s9+s4], $0x80, $0x38;
	[tilespmem:$0x1BE00] =	vst v63  }
0x23: {  	_ = 	snop  }
0x24: {  	[tilespmem:s22], [sflag:$0x6] =	stream.linear.gather [hbm4b:s10+s4], $0x80, $0x38;
	[tilespmem:$0x1BE00] =	vst v63  }
0x25: {  	_ =	swait.ge [sflag:s23], $0x80  }
0x26: {  	[sflag:s23] =	ssyncset.done $0x0  }
0x27: {  	[sflag:s23] =	ssyncadd.s32 $0xFFFFFF80  }
0x28: {  	_ =	swait.ge [sflag:s24], $0x80  }
0x29: {  	[sflag:s24] =	ssyncset.done $0x0  }
0x2a: {  	[sflag:s24] =	ssyncadd.s32 $0xFFFFFF80  }
0x2b: {  	[tilespmem:s26], [sflag:$0x1] =	stream.indirect.gather [hbm4b:s1+s25], $0x80, s19, s25, $0xb8;
	[tilespmem:$0x1BE00] =	vst v63  }
0x2c: {  	[bflag:$0x0] =	sbarrier.arrive $0xFFFF  }
0x2d: {  	_ =	swait.ge [sflag:s28], $0x80  }
0x2e: {  	[sflag:s28] =	ssyncset.done $0x0  }
0x2f: {  	[sflag:s28] =	ssyncadd.s32 $0xFFFFFF80  }
0x30: {  	_ =	swait.ge [sflag:s29], $0x80  }
0x31: {  	[sflag:s29] =	ssyncset.done $0x0  }
0x32: {  	[sflag:s29] =	ssyncadd.s32 $0xFFFFFF80  }
0x33: {  	[tilespmem:s30], [sflag:$0x2] =	stream.indirect.gather [hbm4b:s1+s25], $0x80, s21, s25, $0xb8;
	[tilespmem:$0x1BE00] =	vst v63  }
0x34: {  	_ =	swait.ge [sflag:s31], $0x4000  }
0x35: {  	[sflag:s31] =	ssyncset.done $0x0  }
0x36: {  	[sflag:s31] =	ssyncadd.s32 $0xFFFFC000  }
0x37: {  	[spmem:s2] =	stream.indirect.scatter.add.f32 [tilespmem:s26], [sflag:$0x7], $0x80, s20, s25, $0xb8;
	[tilespmem:$0x1BE00] =	vst v63  }
0x38: {  	_ =	swait.ge [sflag:s18], $0x4000  }
0x39: {  	[sflag:s18] =	ssyncset.done $0x0  }
0x3a: {  	s12 =	sadd.s32 $0x0, s16;
	[sflag:s18] =	ssyncadd.s32 $0xFFFFC000  }
0x3b: {  	[tilespmem:s19], [sflag:$0x3] =	stream.linear.gather [hbm4b:s12+s4], $0x80, $0x38;
	[tilespmem:$0x1BE00] =	vst v63  }
0x3c: {  	s11 =	sadd.s32 $0x0, s15  }
0x3d: {  	[tilespmem:s20], [sflag:$0x5] =	stream.linear.gather [hbm4b:s11+s4], $0x80, $0x38;
	[tilespmem:$0x1BE00] =	vst v63  }
0x3e: {  	_ =	swait.ge [sflag:s23], $0x80  }
0x3f: {  	[sflag:s23] =	ssyncset.done $0x0  }
0x40: {  	[sflag:s23] =	ssyncadd.s32 $0xFFFFFF80  }
0x41: {  	_ =	swait.ge [sflag:s24], $0x80  }
0x42: {  	[sflag:s24] =	ssyncset.done $0x0  }
0x43: {  	[sflag:s24] =	ssyncadd.s32 $0xFFFFFF80  }
0x44: {  	[tilespmem:s26], [sflag:$0x1] =	stream.indirect.gather [hbm4b:s1+s25], $0x80, s19, s25, $0xb8;
	[tilespmem:$0x1BE00] =	vst v63  }
0x45: {  	_ =	swait.ge [sflag:s0], $0x4000  }
0x46: {  	[sflag:s0] =	ssyncset.done $0x0  }
0x47: {  	[sflag:s0] =	ssyncadd.s32 $0xFFFFC000  }
0x48: {  	[spmem:s2] =	stream.indirect.scatter.add.f32 [tilespmem:s30], [sflag:$0x7], $0x80, s22, s25, $0xb8;
	[tilespmem:$0x1BE00] =	vst v63  }
0x49: {  	_ =	swait.ge [sflag:s18], $0x4000  }
0x4a: {  	s5 =	simm.s32 $0x20;
	[sflag:s18] =	ssyncset.done $0x0  }
0x4b: {  	s12 =	sadd.s32 $0x0, s14;
	s11 =	sadd.s32 $0x0, s13;
	[sflag:s18] =	ssyncadd.s32 $0xFFFFC000  }
0x4c: {  	[tilespmem:s21], [sflag:$0x4] =	stream.linear.gather [hbm4b:s12+s4], $0x80, $0x38;
	[tilespmem:$0x1BE00] =	vst v63  }
.LBB2_2:
0x4d: {  	[tilespmem:s22], [sflag:$0x6] =	stream.linear.gather [hbm4b:s11+s4], $0x80, $0x38;
	[tilespmem:$0x1BE00] =	vst v63  }
0x4e: {  	s11 =	smov.u32 s5  }
0x4f: {  	p0 =	sne.s32 s5, $0x4C0;
	s5 =	sadd.s32 $0x20, s5;
	_ =	swait.ge [sflag:s28], $0x80  }
0x50: {  	[sflag:s28] =	ssyncset.done $0x0  }
0x51: {  	[sflag:s28] =	ssyncadd.s32 $0xFFFFFF80  }
0x52: {  	_ =	swait.ge [sflag:s29], $0x80  }
0x53: {  	[sflag:s29] =	ssyncset.done $0x0  }
0x54: {  	[sflag:s29] =	ssyncadd.s32 $0xFFFFFF80  }
0x55: {  	[tilespmem:s30], [sflag:$0x2] =	stream.indirect.gather [hbm4b:s1+s25], $0x80, s21, s25, $0xb8;
	[tilespmem:$0x1BE00] =	vst v63  }
0x56: {  	_ =	swait.ge [sflag:s31], $0x4000  }
0x57: {  	[sflag:s31] =	ssyncset.done $0x0  }
0x58: {  	[sflag:s31] =	ssyncadd.s32 $0xFFFFC000  }
0x59: {  	[spmem:s2] =	stream.indirect.scatter.add.f32 [tilespmem:s26], [sflag:$0x7], $0x80, s20, s25, $0xb8;
	[tilespmem:$0x1BE00] =	vst v63  }
0x5a: {  	_ =	swait.ge [sflag:s18], $0x4000  }
0x5b: {  	[sflag:s18] =	ssyncset.done $0x0  }
0x5c: {  	s12 =	sadd.s32 s11, s16;
	[sflag:s18] =	ssyncadd.s32 $0xFFFFC000  }
0x5d: {  	[tilespmem:s19], [sflag:$0x3] =	stream.linear.gather [hbm4b:s12+s4], $0x80, $0x38;
	[tilespmem:$0x1BE00] =	vst v63  }
0x5e: {  	s12 =	sadd.s32 s11, s15  }
0x5f: {  	[tilespmem:s20], [sflag:$0x5] =	stream.linear.gather [hbm4b:s12+s4], $0x80, $0x38;
	[tilespmem:$0x1BE00] =	vst v63  }
0x60: {  	_ =	swait.ge [sflag:s23], $0x80  }
0x61: {  	[sflag:s23] =	ssyncset.done $0x0  }
0x62: {  	[sflag:s23] =	ssyncadd.s32 $0xFFFFFF80  }
0x63: {  	_ =	swait.ge [sflag:s24], $0x80  }
0x64: {  	[sflag:s24] =	ssyncset.done $0x0  }
0x65: {  	[sflag:s24] =	ssyncadd.s32 $0xFFFFFF80  }
0x66: {  	[tilespmem:s26], [sflag:$0x1] =	stream.indirect.gather [hbm4b:s1+s25], $0x80, s19, s25, $0xb8;
	[tilespmem:$0x1BE00] =	vst v63  }
0x67: {  	_ =	swait.ge [sflag:s0], $0x4000  }
0x68: {  	[sflag:s0] =	ssyncset.done $0x0  }
0x69: {  	[sflag:s0] =	ssyncadd.s32 $0xFFFFC000  }
0x6a: {  	[spmem:s2] =	stream.indirect.scatter.add.f32 [tilespmem:s30], [sflag:$0x7], $0x80, s22, s25, $0xb8;
	[tilespmem:$0x1BE00] =	vst v63  }
.Ltmp0:
0x6b: {  	_ =	swait.ge [sflag:s18], $0x4000;
	(pc) =	sbr.rel @p0 .LBB2_2-.Ltmp0, $4  }
0x6c: {  	[sflag:s18] =	ssyncset.done $0x0  }
0x6d: {  	s12 =	sadd.s32 s11, s14;
	[sflag:s18] =	ssyncadd.s32 $0xFFFFC000  }
0x6e: {  	[tilespmem:s21], [sflag:$0x4] =	stream.linear.gather [hbm4b:s12+s4], $0x80, $0x38;
	[tilespmem:$0x1BE00] =	vst v63  }
0x6f: {  	s11 =	sadd.s32 s11, s13  }
0x70: {  	[tilespmem:s22], [sflag:$0x6] =	stream.linear.gather [hbm4b:s11+s4], $0x80, $0x38;
	[tilespmem:$0x1BE00] =	vst v63  }
0x71: {  	_ =	swait.ge [sflag:s28], $0x80  }
0x72: {  	[sflag:s28] =	ssyncset.done $0x0  }
0x73: {  	[sflag:s28] =	ssyncadd.s32 $0xFFFFFF80  }
0x74: {  	_ =	swait.ge [sflag:s29], $0x80  }
0x75: {  	[sflag:s29] =	ssyncset.done $0x0  }
0x76: {  	[sflag:s29] =	ssyncadd.s32 $0xFFFFFF80  }
0x77: {  	[tilespmem:s30], [sflag:$0x2] =	stream.indirect.gather [hbm4b:s1+s25], $0x80, s21, s25, $0xb8;
	[tilespmem:$0x1BE00] =	vst v63  }
0x78: {  	_ =	swait.ge [sflag:s31], $0x4000  }
0x79: {  	[sflag:s31] =	ssyncset.done $0x0  }
0x7a: {  	[sflag:s31] =	ssyncadd.s32 $0xFFFFC000  }
0x7b: {  	[spmem:s2] =	stream.indirect.scatter.add.f32 [tilespmem:s26], [sflag:$0x7], $0x80, s20, s25, $0xb8;
	[tilespmem:$0x1BE00] =	vst v63  }
0x7c: {  	_ =	swait.ge [sflag:s18], $0x4000  }
0x7d: {  	[sflag:s18] =	ssyncset.done $0x0  }
0x7e: {  	[sflag:s18] =	ssyncadd.s32 $0xFFFFC000  }
0x7f: {  	[tilespmem:s19], [sflag:$0x3] =	stream.linear.gather [hbm4b:s7+s4], $0x80, $0x38;
	[tilespmem:$0x1BE00] =	vst v63  }
0x80: {  	_ = 	snop  }
0x81: {  	[tilespmem:s20], [sflag:$0x5] =	stream.linear.gather [hbm4b:s8+s4], $0x80, $0x38;
	[tilespmem:$0x1BE00] =	vst v63  }
0x82: {  	_ =	swait.ge [sflag:s23], $0x80  }
0x83: {  	[sflag:s23] =	ssyncset.done $0x0  }
0x84: {  	[sflag:s23] =	ssyncadd.s32 $0xFFFFFF80  }
0x85: {  	_ =	swait.ge [sflag:s24], $0x80  }
0x86: {  	[sflag:s24] =	ssyncset.done $0x0  }
0x87: {  	[sflag:s24] =	ssyncadd.s32 $0xFFFFFF80  }
0x88: {  	[tilespmem:s26], [sflag:$0x1] =	stream.indirect.gather [hbm4b:s1+s25], $0x80, s19, s25, $0xb8;
	[tilespmem:$0x1BE00] =	vst v63  }
0x89: {  	_ =	swait.ge [sflag:s0], $0x4000  }
0x8a: {  	[sflag:s0] =	ssyncset.done $0x0  }
0x8b: {  	[sflag:s0] =	ssyncadd.s32 $0xFFFFC000  }
0x8c: {  	[spmem:s2] =	stream.indirect.scatter.add.f32 [tilespmem:s30], [sflag:$0x7], $0x80, s22, s25, $0xb8;
	[tilespmem:$0x1BE00] =	vst v63  }
0x8d: {  	_ =	swait.ge [sflag:s18], $0x4000  }
0x8e: {  	[sflag:s18] =	ssyncset.done $0x0  }
0x8f: {  	[sflag:s18] =	ssyncadd.s32 $0xFFFFC000  }
0x90: {  	[tilespmem:s21], [sflag:$0x4] =	stream.linear.gather [hbm4b:s9+s4], $0x80, $0x38;
	[tilespmem:$0x1BE00] =	vst v63  }
0x91: {  	_ = 	snop  }
0x92: {  	[tilespmem:s22], [sflag:$0x6] =	stream.linear.gather [hbm4b:s10+s4], $0x80, $0x38;
	[tilespmem:$0x1BE00] =	vst v63  }
0x93: {  	_ =	swait.ge [sflag:s31], $0x4000  }
0x94: {  	[sflag:s31] =	ssyncset.done $0x0  }
0x95: {  	[sflag:s31] =	ssyncadd.s32 $0xFFFFC000  }
0x96: {  	_ =	swait.ge [sflag:s28], $0x80  }
0x97: {  	[sflag:s28] =	ssyncset.done $0x0  }
0x98: {  	[sflag:s28] =	ssyncadd.s32 $0xFFFFFF80  }
0x99: {  	_ =	swait.ge [sflag:s29], $0x80  }
0x9a: {  	[sflag:s29] =	ssyncset.done $0x0  }
0x9b: {  	[sflag:s29] =	ssyncadd.s32 $0xFFFFFF80  }
0x9c: {  	[bflag:$0x0] =	sbarrier.arrive $0xFFFF  }
0x9d: {  	s5 =	rddreg [dreg:$0x5]  }
0x9e: {  	[hbm:s5], [sflag:s6] =	dma.local [spmem:s17], $0x2780  }
0x9f: {  	_ =	swait.ge [sflag:s18], $0x2780  }
0xa0: {  	s3 =	sadd.s32 $0x1, s3;
	s12 =	rddreg [dreg:$0x6]  }
0xa1: {  	p0 =	sne.s32 s3, s12  }
.Ltmp1:
0xa2: {  	_ = 	snop;
	(pc) =	sbr.rel @p0 .LBB2_1-.Ltmp1, $3  }
0xa3: {  	_ =	sdelay $0x1  }
0xa4: {  	[sflag:s18] =	ssyncset.done $0x0  }
0xa5: {  	[sflag:s18] =	ssyncadd.s32 $0xFFFFD880  }
0xa6: {  	_ =	sfence.sel $0x180000  }
0xa7: {  	[bflag:$0x0] =	sbarrier.arrive $0xFFFF  }
0xa8: {  	_ =	strace $0x9000004A  }
0xa9: {  	s0 =	stileid.u32;
	[bflag:$0x2] =	sbarrier.arrive $0xFFFF  }
0xaa: {  	p0 =	sne.s32 s0, $0x0;
	s0 =	rddreg [dreg:$0x3]  }
0xab: {  	s0 =	sadd.s32 @!p0 $0x100000, s0  }
0xac: {  	[sflag:s0] =	ssyncadd.tile.s32 @!p0 $0x1;
	_ =	shalt  }
.Lfunc_end2:
_tile_overlayer_lowered:
.L_overlay_start_2:
0xad: {  	(tag) =	ssettag $0x2  }
0xae: {  	s0 =	rddreg [dreg:$0x0];
	s2 =	stileid.u32  }
0xaf: {  	s1 =	rddreg [dreg:$0x1];
	p0 =	sne.s32 s2, $0x0  }
0xb0: {  	s3 =	rddreg [dreg:$0x2];
	[bflag:$0x3] =	sbarrier.arrive $0xFFFF;
	s2 =	simm.s32 @!p0 $0x1C07  }
0xb1: {  	[timem:s3], [sflag:s2] =	dma.local @!p0 [hbm:s0], s1  }
0xb2: {  	s0 =	simm.s32 @!p0 $0x7  }
0xb3: {  	_ =	swait.ge @!p0 [sflag:s0], s1  }
0xb4: {  	s1 =	ssub.s32 @!p0 $0x0, s1;
	[sflag:s0] =	ssyncset.done @!p0 $0x0  }
0xb5: {  	[sflag:s0] =	ssyncadd.s32 @!p0 s1  }
0xb6: {  	[bflag:$0x3] =	sbarrier.arrive $0xFFFF  }
0xb7: {  	_ =	shalt  }

// kernel: kernel.14.cloned.1.call-start
scs
__scs_entry_jumppad:
0x0: {  	(pc) =	sbr.rel $0x88, $3  }
0x1: {  	(tag) =	ssettag $0x0;
	lr =	simm.s32 $0x1  }
0x2: {  	[smem:$0x3F94] =	sst lr;
	_ =	strace $0xD0000000  }
0x3: {  	_ = 	snop  }
0x4: {  	_ = 	snop  }
0x5: {  	_ = 	snop  }
0x6: {  	_ = 	snop  }
0x7: {  	_ = 	snop  }
__scs_overlays_trampoline_lowered:
0x8: {  	[smem:$0x3FA3] =	sst s0  }
0x9: {  	[smem:$0x3FA4] =	sst s1  }
0xa: {  	[smem:$0x3FA5] =	sst s2  }
0xb: {  	[smem:$0x3FA6] =	sst s3  }
0xc: {  	[smem:$0x3FA7] =	sst s4  }
0xd: {  	[smem:$0x3FA8] =	sst s5  }
0xe: {  	[smem:$0x3FA9] =	sst s6  }
0xf: {  	[smem:$0x3FAA] =	sst s7  }
0x10: {  	[smem:$0x3FAB] =	sst s8  }
0x11: {  	[smem:$0x3FAC] =	sst s9;
	s0 =	simm.s32 @!p0 $0x0  }
0x12: {  	s1 =	sld [smem:$0x3F92];
	s0 =	simm.s32 @p0 $0x1  }
0x13: {  	[smem:$0x3FAD] =	sst s0;
	s0 =	simm.s32 @!p1 $0x0  }
0x14: {  	s2 =	sld [smem:$0x3F91];
	s0 =	simm.s32 @p1 $0x1  }
0x15: {  	[smem:$0x3FAE] =	sst s0;
	s0 =	simm.s32 @!p2 $0x0  }
0x16: {  	s3 =	sld [smem:$0x3FDB];
	s0 =	simm.s32 @p2 $0x1  }
0x17: {  	s4 =	simm.s32 $0x1BF5;
	[smem:$0x3FB0] =	sst s0  }
0x18: {  	s0 =	sld [smem:$0x3F93];
	_ =	swait.ge [sflag:s4], $0x0  }
0x19: {  	s7 =	sld [smem:$0x3F94]  }
0x1a: {  	s8 =	sadd.s32 $0xFFFFE003, lr  }
0x1b: {  	s9 =	sadd.s32 $0xFFFFFEF7, lr;
	s5 =	simm.s32 $0xFFFFFFFF;
	p2 =	slt.u32 s8, $0xFFFFF086  }
0x1c: {  	p1 =	slt.u32 s9, $0xF7A;
	s5 =	simm.s32 @!p2 $0x0  }
0x1d: {  	s5 =	simm.s32 @p1 $0x1;
	p0 =	seq.s32 s7, s2  }
0x1e: {  	s7 =	smul.u32 @!p0 $0xF7A, s2;
	p2 =	seq.s32 @!p0 s5, $0x0  }
0x1f: {  	s9 =	smul.u32 $0xF7A, s1;
	s8 =	simm.s32 @!p0 $0x1BF5;
	p2 =	por !p2, p0  }
0x20: {  	[sflag:s8] =	ssyncset.s32 @!p0 $0xFFFFF086;
	s6 =	sadd.s32 @!p0 s3, s7;
	s7 =	simm.s32 @!p0 $0x108  }
0x21: {  	s3 =	sadd.s32 s3, s9;
	s6 =	sadd.s32 @!p0 $0x88, s6;
	s7 =	simm.s32 @p2 $0x1082  }
0x22: {  	[simem:s7], [sflag:s8] =	dma.local @!p0 [hbm:s6], $0xF7A  }
0x23: {  	s9 =	sor.u32 $0xD0000000, s2;
	s6 =	simm.s32 $0x108;
	_ =	swait.ge @!p0 [sflag:s8], $0x0  }
0x24: {  	s3 =	sadd.s32 $0x88, s3;
	s6 =	simm.s32 @!p1 $0x1082;
	[sflag:s4] =	ssyncset.s32 $0xFFFFF086  }
0x25: {  	[simem:s6], [sflag:s4] =	dma.local [hbm:s3], $0xF7A  }
0x26: {  	[smem:$0x3F94] =	sst s1;
	(tag) =	ssettag s2;
	_ =	strace s9  }
0x27: {  	s1 =	sld [smem:$0x3FA4]  }
0x28: {  	s2 =	sld [smem:$0x3FA5]  }
0x29: {  	s4 =	sld [smem:$0x3FA7]  }
0x2a: {  	p0 =	seq.s32 s5, $0x0;
	s5 =	sld [smem:$0x3FA8]  }
0x2b: {  	s6 =	sld [smem:$0x3FA9]  }
0x2c: {  	s7 =	sld [smem:$0x3FAA]  }
0x2d: {  	s3 =	simm.s32 $0x108;
	s8 =	sld [smem:$0x3FAB]  }
0x2e: {  	s3 =	simm.s32 @!p0 $0x1082;
	s9 =	sld [smem:$0x3FAC]  }
0x2f: {  	lr =	sadd.s32 s0, s3;
	s0 =	sld [smem:$0x3FA3]  }
0x30: {  	s3 =	sld [smem:$0x3FA6]  }
0x31: {  	[smem:$0x3FAF] =	sst s10  }
0x32: {  	s10 =	sld [smem:$0x3FAD];
	_ =	sdelay $0x3  }
0x33: {  	p0 =	seq.s32 s10, $0x1;
	s10 =	sld [smem:$0x3FAF];
	_ =	sdelay $0x3  }
0x34: {  	[smem:$0x3FAF] =	sst s10  }
0x35: {  	s10 =	sld [smem:$0x3FAE];
	_ =	sdelay $0x3  }
0x36: {  	p1 =	seq.s32 s10, $0x1;
	s10 =	sld [smem:$0x3FAF];
	_ =	sdelay $0x3  }
0x37: {  	[smem:$0x3FAF] =	sst s10  }
0x38: {  	s10 =	sld [smem:$0x3FB0]  }
0x39: {  	_ = 	snop;
	(pc) =	sbr.ind lr, $3  }
0x3a: {  	_ = 	snop  }
0x3b: {  	_ = 	snop  }
0x3c: {  	p2 =	seq.s32 s10, $0x1;
	s10 =	sld [smem:$0x3FAF]  }
0x3d: {  	_ =	shalt  }
0x3e: {  	_ =	shalt  }
0x3f: {  	_ =	shalt  }
0x40: {  	_ =	shalt  }
0x41: {  	_ =	shalt  }
0x42: {  	_ =	shalt  }
0x43: {  	_ =	shalt  }
0x44: {  	_ =	shalt  }
0x45: {  	_ =	shalt  }
0x46: {  	_ =	shalt  }
0x47: {  	_ =	shalt  }
0x48: {  	_ =	shalt  }
0x49: {  	_ =	shalt  }
0x4a: {  	_ =	shalt  }
0x4b: {  	_ =	shalt  }
0x4c: {  	_ =	shalt  }
0x4d: {  	_ =	shalt  }
0x4e: {  	_ =	shalt  }
0x4f: {  	_ =	shalt  }
0x50: {  	_ =	shalt  }
0x51: {  	_ =	shalt  }
0x52: {  	_ =	shalt  }
0x53: {  	_ =	shalt  }
0x54: {  	_ =	shalt  }
0x55: {  	_ =	shalt  }
0x56: {  	_ =	shalt  }
0x57: {  	_ =	shalt  }
0x58: {  	_ =	shalt  }
0x59: {  	_ =	shalt  }
0x5a: {  	_ =	shalt  }
0x5b: {  	_ =	shalt  }
0x5c: {  	_ =	shalt  }
0x5d: {  	_ =	shalt  }
0x5e: {  	_ =	shalt  }
0x5f: {  	_ =	shalt  }
0x60: {  	_ =	shalt  }
0x61: {  	_ =	shalt  }
0x62: {  	_ =	shalt  }
0x63: {  	_ =	shalt  }
0x64: {  	_ =	shalt  }
0x65: {  	_ =	shalt  }
0x66: {  	_ =	shalt  }
0x67: {  	_ =	shalt  }
0x68: {  	_ =	shalt  }
0x69: {  	_ =	shalt  }
0x6a: {  	_ =	shalt  }
0x6b: {  	_ =	shalt  }
0x6c: {  	_ =	shalt  }
0x6d: {  	_ =	shalt  }
0x6e: {  	_ =	shalt  }
0x6f: {  	_ =	shalt  }
0x70: {  	_ =	shalt  }
0x71: {  	_ =	shalt  }
0x72: {  	_ =	shalt  }
0x73: {  	_ =	shalt  }
0x74: {  	_ =	shalt  }
0x75: {  	_ =	shalt  }
0x76: {  	_ =	shalt  }
0x77: {  	_ =	shalt  }
0x78: {  	_ =	shalt  }
0x79: {  	_ =	shalt  }
0x7a: {  	_ =	shalt  }
0x7b: {  	_ =	shalt  }
0x7c: {  	_ =	shalt  }
0x7d: {  	_ =	shalt  }
0x7e: {  	_ =	shalt  }
0x7f: {  	_ =	shalt  }
0x80: {  	_ =	shalt  }
0x81: {  	_ =	shalt  }
0x82: {  	_ =	shalt  }
0x83: {  	_ =	shalt  }
0x84: {  	_ =	shalt  }
0x85: {  	_ =	shalt  }
0x86: {  	_ =	shalt  }
0x87: {  	_ =	shalt  }
.Lfunc_end0:
.L_simem_size_0:
called_computation.2_lowered:
.L_overlay_start_0:
0x88: {  	s2 =	sld [smem:$0x3FD9]  }
0x89: {  	s3 =	sld [smem:$0x3FFE];
	_ =	sdelay $0x1  }
0x8a: {  	s1 =	srdreg.scid  }
0x8b: {  	s0 =	sand.u32 $0x1, s1  }
0x8c: {  	s17 =	sshll.u32 s0, $0xA;
	s2 =	sadd.s32 s3, s2  }
0x8d: {  	s2 =	sadd.s32 s2, s17  }
0x8e: {  	[smem:$0x3FBB] =	sst s2  }
0x8f: {  	_ = 	snop  }
0x90: {  	s2 =	sld [smem:$0x3FD0];
	(tm) =	ssettm $0x1  }
0x91: {  	s18 =	sld [smem:$0x3FFB];
	_ =	sdelay $0x3  }
0x92: {  	_ =	strace s18  }
0x93: {  	s3 =	sld [smem:$0x3FFC];
	_ =	sdelay $0x3  }
0x94: {  	_ =	strace s3  }
0x95: {  	s3 =	sld [smem:$0x3FFD];
	_ =	sdelay $0x3  }
0x96: {  	_ =	strace s3  }
0x97: {  	_ =	strace $0x8FFFFFFF  }
0x98: {  	s19 =	sld [smem:$0x3FDB];
	_ =	sdelay $0x1  }
0x99: {  	s4 =	simm.s32 $_scs_section_size  }
0x9a: {  	s5 =	simm.s32 $_size__tile_overlayer_lowered;
	s6 =	simm.s32 $_tile_overlayer_lowered  }
0x9b: {  	s22 =	simm.s32 $0x1BFF;
	s21 =	sshll.u32 s6, $0x1;
	s3 =	sadd.s32 s4, s19  }
0x9c: {  	s7 =	simm.s32 $0x0;
	s20 =	sshll.u32 s5, $0x1;
	s5 =	sadd.s32 s21, s3  }
0x9d: {  	[timem:s7], [sflag:s22] =	dma.local [hbm:s5], s20  }
0x9e: {  	_ =	swait.ge [sflag:s22], s20  }
0x9f: {  	s4 =	ssub.s32 $0x0, s20;
	[sflag:s22] =	ssyncset.done $0x0  }
0xa0: {  	[sflag:s22] =	ssyncadd.s32 s4;
	_ =	sdelay $0x1  }
0xa1: {  	s23 =	simm.s32 $0x1B8B  }
0xa2: {  	_ =	swait.ge [sflag:s23], $0x1  }
0xa3: {  	[sflag:s23] =	ssyncset.done $0x0  }
0xa4: {  	s25 =	simm.s32 $0x1B8E;
	s24 =	sld [smem:$0x3FFE];
	[sflag:s23] =	ssyncadd.s32 $0xFFFFFFFF  }
0xa5: {  	s26 =	simm.s32 $execute0_lowered;
	[smem:$0x3FD2] =	sst s25  }
0xa6: {  	s5 =	sshll.u32 s26, $0x1;
	_ =	strace $0x8000004C;
	[dreg:$0x1] =	wrdreg $0xFFFFFFFF  }
0xa7: {  	s28 =	simm.s32 $_size_execute0_lowered;
	s3 =	sadd.s32 s3, s5;
	[dreg:$0x0] =	wrdreg $0x0  }
0xa8: {  	s5 =	sshll.u32 s28, $0x1;
	[dreg:$0x2] =	wrdreg s3  }
0xa9: {  	[dreg:$0x3] =	wrdreg s5  }
0xaa: {  	[dreg:$0x4] =	wrdreg $0xC0  }
0xab: {  	_ =	task [dreg:s7], $0x5FFFF  }
0xac: {  	[dreg:$0x1] =	wrdreg $0xFFFFFFFF  }
0xad: {  	[dreg:$0x0] =	wrdreg $0x60  }
0xae: {  	[dreg:$0x2] =	wrdreg s2  }
0xaf: {  	[dreg:$0x3] =	wrdreg s24  }
0xb0: {  	[dreg:$0x4] =	wrdreg $0x0  }
0xb1: {  	[dreg:$0x5] =	wrdreg $0x9  }
0xb2: {  	_ =	task.clear_ibuf [dreg:s7], $0x6FFFF;
	_ =	strace $0x9000004C  }
0xb3: {  	s29 =	simm.s32 $0x9;
	_ =	strace $0x8000004E  }
0xb4: {  	_ =	swait.ge [sflag:s29], $0x1  }
0xb5: {  	[sflag:s29] =	ssyncadd.s32 $0xFFFFFFFF  }
0xb6: {  	_ =	strace $0x9000004E  }
0xb7: {  	_ =	sfence  }
0xb8: {  	s30 =	sld [smem:$0x0];
	_ =	sdelay $0x2  }
0xb9: {  	s31 =	sshll.u32 s1, $0xD;
	s1 =	sshrl.u32 s1, $0x2  }
0xba: {  	s3 =	sand.u32 $0x4000, s31;
	s1 =	sadd.s32 s1, s30  }
0xbb: {  	s0 =	sor.u32 s3, s0;
	s1 =	sshll.u32 s1, $0x11  }
0xbc: {  	s0 =	sor.u32 s1, s0  }
0xbd: {  	s0 =	sadd.s32 $0x8F2B, s0  }
0xbe: {  	[sflag:s0] =	ssyncadd.remote.s32 $0x1  }
0xbf: {  	_ =	sfence.sel $0xFFFF  }
0xc0: {  	[dreg:$0x0] =	wrdreg $0xFFFFFFFF;
	(pc) =	sbr.abs _section_cstart, $3  }
0xc1: {  	[dreg:$0x1] =	wrdreg $0xFFFFFFFF  }
0xc2: {  	_ =	task.clear_ibuf [dreg:s7], $0x2FFFF;
	_ =	strace $0x9FFFFFFF  }
0xc3: {  	(tm) =	ssettm $0x7FFFFFFF  }
tec
execute0_lowered:
.L_overlay_start_1:
0x0: {  	(tag) =	ssettag $0x1  }
0x1: {  	s1 =	rddreg [dreg:$0x0]  }
0x2: {  	s0 =	rddreg [dreg:$0x1]  }
0x3: {  	s2 =	rddreg [dreg:$0x2]  }
0x4: {  	s3 =	srdreg.scid;
	s4 =	simm.s32 $0x0;
	s9 =	stileid.u32  }
0x5: {  	s18 =	simm.s32 $0x7;
	s19 =	simm.s32 $0x13C00;
	s28 =	simm.s32 $0x4  }
0x6: {  	s29 =	simm.s32 $0x6;
	s30 =	simm.s32 $0x17E00;
	s31 =	simm.s32 $0x1  }
0x7: {  	s3 =	sand.u32 $0x1, s3;
	[smem:$0x7FF] =	sst s4;
	s6 =	smul.u32 $0x13C00, s9  }
0x8: {  	s11 =	sadd.s32 $0xE800, s0;
	s15 =	sadd.s32 $0x4800, s0;
	s21 =	smul.u32 $0x4F000, s9  }
0x9: {  	s7 =	sadd.s32 $0x18800, s0;
	s20 =	sshll.u32 s9, $0x1;
	s10 =	smul.u32 $0x5000, s9  }
0xa: {  	s23 =	sshll.u32 s9, $0x6;
	s5 =	smul.u32 $0x13C000, s3;
	s22 =	ssub.s32 $0x2, s3  }
0xb: {  	_ =	strace $0x8000004D;
	[dreg:$0x4] =	wrdreg s7;
	s8 =	sshrl.u32 s22, $0x1  }
0xc: {  	s7 =	sshrl.u32 s21, $0x2;
	s21 =	simm.s32 $0x13C80;
	s5 =	sadd.s32 s6, s5  }
0xd: {  	s6 =	sor.u32 s3, s20;
	s17 =	sadd.s32 s7, s2;
	s3 =	smul.u32 $0x2800, s3  }
0xe: {  	s20 =	simm.s32 $0x13D00;
	s5 =	sshrl.u32 s5, $0x3;
	s6 =	smul.u32 $0x2800, s6  }
0xf: {  	s17 =	sshrl.u32 s17, $0x3;
	s0 =	sadd.s32 s5, s0;
	s5 =	ssub.s32 s22, s8  }
0x10: {  	s3 =	sadd.s32 s3, s10;
	s22 =	simm.s32 $0x13D80;
	s24 =	sshrl.u32 s6, $0x3  }
0x11: {  	s6 =	sor.u32 $0x1C07, s23;
	s0 =	sadd.s32 $0x1B000, s0;
	s25 =	sor.u32 $0x180, s3  }
0x12: {  	s5 =	smax.u32 s5, $0x1;
	s3 =	sor.u32 $0x100, s3;
	s23 =	simm.s32 $0x3  }
0x13: {  	s7 =	sadd.s32 s11, s24;
	s12 =	sor.u32 $0x10, s24;
	[dreg:$0x5] =	wrdreg s0  }
0x14: {  	s8 =	sadd.s32 s15, s24;
	[dreg:$0x6] =	wrdreg s5;
	s0 =	sshrl.u32 s25, $0x3  }
0x15: {  	s26 =	sshrl.u32 s3, $0x3;
	s24 =	simm.s32 $0x5;
	s25 =	simm.s32 $0x80  }
0x16: {  	s3 =	simm.s32 $0x0;
	s9 =	sadd.s32 s11, s12;
	s10 =	sadd.s32 s15, s12  }
0x17: {  	s13 =	sadd.s32 s0, s15;
	s14 =	sadd.s32 s0, s11;
	s15 =	sadd.s32 s26, s15  }
0x18: {  	s16 =	sadd.s32 s26, s11;
	s26 =	simm.s32 $0x13E00;
	s0 =	simm.s32 $0x2  }
.LBB2_1:
0x19: {  	s5 =	rddreg [dreg:$0x4]  }
0x1a: {  	[spmem:s17], [sflag:s6] =	dma.local [hbm:s5], $0x2780  }
0x1b: {  	_ =	swait.ge [sflag:s18], $0x2780  }
0x1c: {  	[sflag:s18] =	ssyncset.done $0x0  }
0x1d: {  	[sflag:s18] =	ssyncadd.s32 $0xFFFFD880  }
0x1e: {  	[tilespmem:s19], [sflag:$0x3] =	stream.linear.gather [hbm4b:s7+s4], $0x80, $0x38;
	[tilespmem:$0x1BE00] =	vst v63  }
0x1f: {  	_ = 	snop  }
0x20: {  	[tilespmem:s20], [sflag:$0x5] =	stream.linear.gather [hbm4b:s8+s4], $0x80, $0x38;
	[tilespmem:$0x1BE00] =	vst v63  }
0x21: {  	_ = 	snop  }
0x22: {  	[tilespmem:s21], [sflag:$0x4] =	stream.linear.gather [hbm4b:s9+s4], $0x80, $0x38;
	[tilespmem:$0x1BE00] =	vst v63  }
0x23: {  	_ = 	snop  }
0x24: {  	[tilespmem:s22], [sflag:$0x6] =	stream.linear.gather [hbm4b:s10+s4], $0x80, $0x38;
	[tilespmem:$0x1BE00] =	vst v63  }
0x25: {  	_ =	swait.ge [sflag:s23], $0x80  }
0x26: {  	[sflag:s23] =	ssyncset.done $0x0  }
0x27: {  	[sflag:s23] =	ssyncadd.s32 $0xFFFFFF80  }
0x28: {  	_ =	swait.ge [sflag:s24], $0x80  }
0x29: {  	[sflag:s24] =	ssyncset.done $0x0  }
0x2a: {  	[sflag:s24] =	ssyncadd.s32 $0xFFFFFF80  }
0x2b: {  	[tilespmem:s26], [sflag:$0x1] =	stream.indirect.gather [hbm4b:s1+s25], $0x80, s19, s25, $0xb8;
	[tilespmem:$0x1BE00] =	vst v63  }
0x2c: {  	[bflag:$0x0] =	sbarrier.arrive $0xFFFF  }
0x2d: {  	_ =	swait.ge [sflag:s28], $0x80  }
0x2e: {  	[sflag:s28] =	ssyncset.done $0x0  }
0x2f: {  	[sflag:s28] =	ssyncadd.s32 $0xFFFFFF80  }
0x30: {  	_ =	swait.ge [sflag:s29], $0x80  }
0x31: {  	[sflag:s29] =	ssyncset.done $0x0  }
0x32: {  	[sflag:s29] =	ssyncadd.s32 $0xFFFFFF80  }
0x33: {  	[tilespmem:s30], [sflag:$0x2] =	stream.indirect.gather [hbm4b:s1+s25], $0x80, s21, s25, $0xb8;
	[tilespmem:$0x1BE00] =	vst v63  }
0x34: {  	_ =	swait.ge [sflag:s31], $0x4000  }
0x35: {  	[sflag:s31] =	ssyncset.done $0x0  }
0x36: {  	[sflag:s31] =	ssyncadd.s32 $0xFFFFC000  }
0x37: {  	[spmem:s2] =	stream.indirect.scatter.add.f32 [tilespmem:s26], [sflag:$0x7], $0x80, s20, s25, $0xb8;
	[tilespmem:$0x1BE00] =	vst v63  }
0x38: {  	_ =	swait.ge [sflag:s18], $0x4000  }
0x39: {  	[sflag:s18] =	ssyncset.done $0x0  }
0x3a: {  	s12 =	sadd.s32 $0x0, s16;
	[sflag:s18] =	ssyncadd.s32 $0xFFFFC000  }
0x3b: {  	[tilespmem:s19], [sflag:$0x3] =	stream.linear.gather [hbm4b:s12+s4], $0x80, $0x38;
	[tilespmem:$0x1BE00] =	vst v63  }
0x3c: {  	s11 =	sadd.s32 $0x0, s15  }
0x3d: {  	[tilespmem:s20], [sflag:$0x5] =	stream.linear.gather [hbm4b:s11+s4], $0x80, $0x38;
	[tilespmem:$0x1BE00] =	vst v63  }
0x3e: {  	_ =	swait.ge [sflag:s23], $0x80  }
0x3f: {  	[sflag:s23] =	ssyncset.done $0x0  }
0x40: {  	[sflag:s23] =	ssyncadd.s32 $0xFFFFFF80  }
0x41: {  	_ =	swait.ge [sflag:s24], $0x80  }
0x42: {  	[sflag:s24] =	ssyncset.done $0x0  }
0x43: {  	[sflag:s24] =	ssyncadd.s32 $0xFFFFFF80  }
0x44: {  	[tilespmem:s26], [sflag:$0x1] =	stream.indirect.gather [hbm4b:s1+s25], $0x80, s19, s25, $0xb8;
	[tilespmem:$0x1BE00] =	vst v63  }
0x45: {  	_ =	swait.ge [sflag:s0], $0x4000  }
0x46: {  	[sflag:s0] =	ssyncset.done $0x0  }
0x47: {  	[sflag:s0] =	ssyncadd.s32 $0xFFFFC000  }
0x48: {  	[spmem:s2] =	stream.indirect.scatter.add.f32 [tilespmem:s30], [sflag:$0x7], $0x80, s22, s25, $0xb8;
	[tilespmem:$0x1BE00] =	vst v63  }
0x49: {  	_ =	swait.ge [sflag:s18], $0x4000  }
0x4a: {  	s5 =	simm.s32 $0x20;
	[sflag:s18] =	ssyncset.done $0x0  }
0x4b: {  	s12 =	sadd.s32 $0x0, s14;
	s11 =	sadd.s32 $0x0, s13;
	[sflag:s18] =	ssyncadd.s32 $0xFFFFC000  }
0x4c: {  	[tilespmem:s21], [sflag:$0x4] =	stream.linear.gather [hbm4b:s12+s4], $0x80, $0x38;
	[tilespmem:$0x1BE00] =	vst v63  }
.LBB2_2:
0x4d: {  	[tilespmem:s22], [sflag:$0x6] =	stream.linear.gather [hbm4b:s11+s4], $0x80, $0x38;
	[tilespmem:$0x1BE00] =	vst v63  }
0x4e: {  	s11 =	smov.u32 s5  }
0x4f: {  	p0 =	sne.s32 s5, $0x4C0;
	s5 =	sadd.s32 $0x20, s5;
	_ =	swait.ge [sflag:s28], $0x80  }
0x50: {  	[sflag:s28] =	ssyncset.done $0x0  }
0x51: {  	[sflag:s28] =	ssyncadd.s32 $0xFFFFFF80  }
0x52: {  	_ =	swait.ge [sflag:s29], $0x80  }
0x53: {  	[sflag:s29] =	ssyncset.done $0x0  }
0x54: {  	[sflag:s29] =	ssyncadd.s32 $0xFFFFFF80  }
0x55: {  	[tilespmem:s30], [sflag:$0x2] =	stream.indirect.gather [hbm4b:s1+s25], $0x80, s21, s25, $0xb8;
	[tilespmem:$0x1BE00] =	vst v63  }
0x56: {  	_ =	swait.ge [sflag:s31], $0x4000  }
0x57: {  	[sflag:s31] =	ssyncset.done $0x0  }
0x58: {  	[sflag:s31] =	ssyncadd.s32 $0xFFFFC000  }
0x59: {  	[spmem:s2] =	stream.indirect.scatter.add.f32 [tilespmem:s26], [sflag:$0x7], $0x80, s20, s25, $0xb8;
	[tilespmem:$0x1BE00] =	vst v63  }
0x5a: {  	_ =	swait.ge [sflag:s18], $0x4000  }
0x5b: {  	[sflag:s18] =	ssyncset.done $0x0  }
0x5c: {  	s12 =	sadd.s32 s11, s16;
	[sflag:s18] =	ssyncadd.s32 $0xFFFFC000  }
0x5d: {  	[tilespmem:s19], [sflag:$0x3] =	stream.linear.gather [hbm4b:s12+s4], $0x80, $0x38;
	[tilespmem:$0x1BE00] =	vst v63  }
0x5e: {  	s12 =	sadd.s32 s11, s15  }
0x5f: {  	[tilespmem:s20], [sflag:$0x5] =	stream.linear.gather [hbm4b:s12+s4], $0x80, $0x38;
	[tilespmem:$0x1BE00] =	vst v63  }
0x60: {  	_ =	swait.ge [sflag:s23], $0x80  }
0x61: {  	[sflag:s23] =	ssyncset.done $0x0  }
0x62: {  	[sflag:s23] =	ssyncadd.s32 $0xFFFFFF80  }
0x63: {  	_ =	swait.ge [sflag:s24], $0x80  }
0x64: {  	[sflag:s24] =	ssyncset.done $0x0  }
0x65: {  	[sflag:s24] =	ssyncadd.s32 $0xFFFFFF80  }
0x66: {  	[tilespmem:s26], [sflag:$0x1] =	stream.indirect.gather [hbm4b:s1+s25], $0x80, s19, s25, $0xb8;
	[tilespmem:$0x1BE00] =	vst v63  }
0x67: {  	_ =	swait.ge [sflag:s0], $0x4000  }
0x68: {  	[sflag:s0] =	ssyncset.done $0x0  }
0x69: {  	[sflag:s0] =	ssyncadd.s32 $0xFFFFC000  }
0x6a: {  	[spmem:s2] =	stream.indirect.scatter.add.f32 [tilespmem:s30], [sflag:$0x7], $0x80, s22, s25, $0xb8;
	[tilespmem:$0x1BE00] =	vst v63  }
.Ltmp0:
0x6b: {  	_ =	swait.ge [sflag:s18], $0x4000;
	(pc) =	sbr.rel @p0 .LBB2_2-.Ltmp0, $4  }
0x6c: {  	[sflag:s18] =	ssyncset.done $0x0  }
0x6d: {  	s12 =	sadd.s32 s11, s14;
	[sflag:s18] =	ssyncadd.s32 $0xFFFFC000  }
0x6e: {  	[tilespmem:s21], [sflag:$0x4] =	stream.linear.gather [hbm4b:s12+s4], $0x80, $0x38;
	[tilespmem:$0x1BE00] =	vst v63  }
0x6f: {  	s11 =	sadd.s32 s11, s13  }
0x70: {  	[tilespmem:s22], [sflag:$0x6] =	stream.linear.gather [hbm4b:s11+s4], $0x80, $0x38;
	[tilespmem:$0x1BE00] =	vst v63  }
0x71: {  	_ =	swait.ge [sflag:s28], $0x80  }
0x72: {  	[sflag:s28] =	ssyncset.done $0x0  }
0x73: {  	[sflag:s28] =	ssyncadd.s32 $0xFFFFFF80  }
0x74: {  	_ =	swait.ge [sflag:s29], $0x80  }
0x75: {  	[sflag:s29] =	ssyncset.done $0x0  }
0x76: {  	[sflag:s29] =	ssyncadd.s32 $0xFFFFFF80  }
0x77: {  	[tilespmem:s30], [sflag:$0x2] =	stream.indirect.gather [hbm4b:s1+s25], $0x80, s21, s25, $0xb8;
	[tilespmem:$0x1BE00] =	vst v63  }
0x78: {  	_ =	swait.ge [sflag:s31], $0x4000  }
0x79: {  	[sflag:s31] =	ssyncset.done $0x0  }
0x7a: {  	[sflag:s31] =	ssyncadd.s32 $0xFFFFC000  }
0x7b: {  	[spmem:s2] =	stream.indirect.scatter.add.f32 [tilespmem:s26], [sflag:$0x7], $0x80, s20, s25, $0xb8;
	[tilespmem:$0x1BE00] =	vst v63  }
0x7c: {  	_ =	swait.ge [sflag:s18], $0x4000  }
0x7d: {  	[sflag:s18] =	ssyncset.done $0x0  }
0x7e: {  	[sflag:s18] =	ssyncadd.s32 $0xFFFFC000  }
0x7f: {  	[tilespmem:s19], [sflag:$0x3] =	stream.linear.gather [hbm4b:s7+s4], $0x80, $0x38;
	[tilespmem:$0x1BE00] =	vst v63  }
0x80: {  	_ = 	snop  }
0x81: {  	[tilespmem:s20], [sflag:$0x5] =	stream.linear.gather [hbm4b:s8+s4], $0x80, $0x38;
	[tilespmem:$0x1BE00] =	vst v63  }
0x82: {  	_ =	swait.ge [sflag:s23], $0x80  }
0x83: {  	[sflag:s23] =	ssyncset.done $0x0  }
0x84: {  	[sflag:s23] =	ssyncadd.s32 $0xFFFFFF80  }
0x85: {  	_ =	swait.ge [sflag:s24], $0x80  }
0x86: {  	[sflag:s24] =	ssyncset.done $0x0  }
0x87: {  	[sflag:s24] =	ssyncadd.s32 $0xFFFFFF80  }
0x88: {  	[tilespmem:s26], [sflag:$0x1] =	stream.indirect.gather [hbm4b:s1+s25], $0x80, s19, s25, $0xb8;
	[tilespmem:$0x1BE00] =	vst v63  }
0x89: {  	_ =	swait.ge [sflag:s0], $0x4000  }
0x8a: {  	[sflag:s0] =	ssyncset.done $0x0  }
0x8b: {  	[sflag:s0] =	ssyncadd.s32 $0xFFFFC000  }
0x8c: {  	[spmem:s2] =	stream.indirect.scatter.add.f32 [tilespmem:s30], [sflag:$0x7], $0x80, s22, s25, $0xb8;
	[tilespmem:$0x1BE00] =	vst v63  }
0x8d: {  	_ =	swait.ge [sflag:s18], $0x4000  }
0x8e: {  	[sflag:s18] =	ssyncset.done $0x0  }
0x8f: {  	[sflag:s18] =	ssyncadd.s32 $0xFFFFC000  }
0x90: {  	[tilespmem:s21], [sflag:$0x4] =	stream.linear.gather [hbm4b:s9+s4], $0x80, $0x38;
	[tilespmem:$0x1BE00] =	vst v63  }
0x91: {  	_ = 	snop  }
0x92: {  	[tilespmem:s22], [sflag:$0x6] =	stream.linear.gather [hbm4b:s10+s4], $0x80, $0x38;
	[tilespmem:$0x1BE00] =	vst v63  }
0x93: {  	_ =	swait.ge [sflag:s31], $0x4000  }
0x94: {  	[sflag:s31] =	ssyncset.done $0x0  }
0x95: {  	[sflag:s31] =	ssyncadd.s32 $0xFFFFC000  }
0x96: {  	_ =	swait.ge [sflag:s28], $0x80  }
0x97: {  	[sflag:s28] =	ssyncset.done $0x0  }
0x98: {  	[sflag:s28] =	ssyncadd.s32 $0xFFFFFF80  }
0x99: {  	_ =	swait.ge [sflag:s29], $0x80  }
0x9a: {  	[sflag:s29] =	ssyncset.done $0x0  }
0x9b: {  	[sflag:s29] =	ssyncadd.s32 $0xFFFFFF80  }
0x9c: {  	[bflag:$0x0] =	sbarrier.arrive $0xFFFF  }
0x9d: {  	s5 =	rddreg [dreg:$0x5]  }
0x9e: {  	[hbm:s5], [sflag:s6] =	dma.local [spmem:s17], $0x2780  }
0x9f: {  	_ =	swait.ge [sflag:s18], $0x2780  }
0xa0: {  	s3 =	sadd.s32 $0x1, s3;
	s12 =	rddreg [dreg:$0x6]  }
0xa1: {  	p0 =	sne.s32 s3, s12  }
.Ltmp1:
0xa2: {  	_ = 	snop;
	(pc) =	sbr.rel @p0 .LBB2_1-.Ltmp1, $3  }
0xa3: {  	_ =	sdelay $0x1  }
0xa4: {  	[sflag:s18] =	ssyncset.done $0x0  }
0xa5: {  	[sflag:s18] =	ssyncadd.s32 $0xFFFFD880  }
0xa6: {  	_ =	sfence.sel $0x180000  }
0xa7: {  	[bflag:$0x0] =	sbarrier.arrive $0xFFFF  }
0xa8: {  	_ =	strace $0x9000004D  }
0xa9: {  	s0 =	stileid.u32;
	[bflag:$0x2] =	sbarrier.arrive $0xFFFF  }
0xaa: {  	p0 =	sne.s32 s0, $0x0;
	s0 =	rddreg [dreg:$0x3]  }
0xab: {  	s0 =	sadd.s32 @!p0 $0x100000, s0  }
0xac: {  	[sflag:s0] =	ssyncadd.tile.s32 @!p0 $0x1;
	_ =	shalt  }
.Lfunc_end2:
_tile_overlayer_lowered:
.L_overlay_start_2:
0xad: {  	(tag) =	ssettag $0x2  }
0xae: {  	s0 =	rddreg [dreg:$0x0];
	s2 =	stileid.u32  }
0xaf: {  	s1 =	rddreg [dreg:$0x1];
	p0 =	sne.s32 s2, $0x0  }
0xb0: {  	s3 =	rddreg [dreg:$0x2];
	[bflag:$0x3] =	sbarrier.arrive $0xFFFF;
	s2 =	simm.s32 @!p0 $0x1C07  }
0xb1: {  	[timem:s3], [sflag:s2] =	dma.local @!p0 [hbm:s0], s1  }
0xb2: {  	s0 =	simm.s32 @!p0 $0x7  }
0xb3: {  	_ =	swait.ge @!p0 [sflag:s0], s1  }
0xb4: {  	s1 =	ssub.s32 @!p0 $0x0, s1;
	[sflag:s0] =	ssyncset.done @!p0 $0x0  }
0xb5: {  	[sflag:s0] =	ssyncadd.s32 @!p0 s1  }
0xb6: {  	[bflag:$0x3] =	sbarrier.arrive $0xFFFF  }
0xb7: {  	_ =	shalt  }

// kernel: kernel.8.cloned.1.call-start
scs
__scs_entry_jumppad:
0x0: {  	(pc) =	sbr.rel $0x88, $3  }
0x1: {  	(tag) =	ssettag $0x0;
	lr =	simm.s32 $0x1  }
0x2: {  	[smem:$0x3F94] =	sst lr;
	_ =	strace $0xD0000000  }
0x3: {  	_ = 	snop  }
0x4: {  	_ = 	snop  }
0x5: {  	_ = 	snop  }
0x6: {  	_ = 	snop  }
0x7: {  	_ = 	snop  }
__scs_overlays_trampoline_lowered:
0x8: {  	[smem:$0x3FA3] =	sst s0  }
0x9: {  	[smem:$0x3FA4] =	sst s1  }
0xa: {  	[smem:$0x3FA5] =	sst s2  }
0xb: {  	[smem:$0x3FA6] =	sst s3  }
0xc: {  	[smem:$0x3FA7] =	sst s4  }
0xd: {  	[smem:$0x3FA8] =	sst s5  }
0xe: {  	[smem:$0x3FA9] =	sst s6  }
0xf: {  	[smem:$0x3FAA] =	sst s7  }
0x10: {  	[smem:$0x3FAB] =	sst s8  }
0x11: {  	[smem:$0x3FAC] =	sst s9;
	s0 =	simm.s32 @!p0 $0x0  }
0x12: {  	s1 =	sld [smem:$0x3F92];
	s0 =	simm.s32 @p0 $0x1  }
0x13: {  	[smem:$0x3FAD] =	sst s0;
	s0 =	simm.s32 @!p1 $0x0  }
0x14: {  	s2 =	sld [smem:$0x3F91];
	s0 =	simm.s32 @p1 $0x1  }
0x15: {  	[smem:$0x3FAE] =	sst s0;
	s0 =	simm.s32 @!p2 $0x0  }
0x16: {  	s3 =	sld [smem:$0x3FDB];
	s0 =	simm.s32 @p2 $0x1  }
0x17: {  	s4 =	simm.s32 $0x1BF5;
	[smem:$0x3FB0] =	sst s0  }
0x18: {  	s0 =	sld [smem:$0x3F93];
	_ =	swait.ge [sflag:s4], $0x0  }
0x19: {  	s7 =	sld [smem:$0x3F94]  }
0x1a: {  	s8 =	sadd.s32 $0xFFFFE003, lr  }
0x1b: {  	s9 =	sadd.s32 $0xFFFFFEF7, lr;
	s5 =	simm.s32 $0xFFFFFFFF;
	p2 =	slt.u32 s8, $0xFFFFF086  }
0x1c: {  	p1 =	slt.u32 s9, $0xF7A;
	s5 =	simm.s32 @!p2 $0x0  }
0x1d: {  	s5 =	simm.s32 @p1 $0x1;
	p0 =	seq.s32 s7, s2  }
0x1e: {  	s7 =	smul.u32 @!p0 $0xF7A, s2;
	p2 =	seq.s32 @!p0 s5, $0x0  }
0x1f: {  	s9 =	smul.u32 $0xF7A, s1;
	s8 =	simm.s32 @!p0 $0x1BF5;
	p2 =	por !p2, p0  }
0x20: {  	[sflag:s8] =	ssyncset.s32 @!p0 $0xFFFFF086;
	s6 =	sadd.s32 @!p0 s3, s7;
	s7 =	simm.s32 @!p0 $0x108  }
0x21: {  	s3 =	sadd.s32 s3, s9;
	s6 =	sadd.s32 @!p0 $0x88, s6;
	s7 =	simm.s32 @p2 $0x1082  }
0x22: {  	[simem:s7], [sflag:s8] =	dma.local @!p0 [hbm:s6], $0xF7A  }
0x23: {  	s9 =	sor.u32 $0xD0000000, s2;
	s6 =	simm.s32 $0x108;
	_ =	swait.ge @!p0 [sflag:s8], $0x0  }
0x24: {  	s3 =	sadd.s32 $0x88, s3;
	s6 =	simm.s32 @!p1 $0x1082;
	[sflag:s4] =	ssyncset.s32 $0xFFFFF086  }
0x25: {  	[simem:s6], [sflag:s4] =	dma.local [hbm:s3], $0xF7A  }
0x26: {  	[smem:$0x3F94] =	sst s1;
	(tag) =	ssettag s2;
	_ =	strace s9  }
0x27: {  	s1 =	sld [smem:$0x3FA4]  }
0x28: {  	s2 =	sld [smem:$0x3FA5]  }
0x29: {  	s4 =	sld [smem:$0x3FA7]  }
0x2a: {  	p0 =	seq.s32 s5, $0x0;
	s5 =	sld [smem:$0x3FA8]  }
0x2b: {  	s6 =	sld [smem:$0x3FA9]  }
0x2c: {  	s7 =	sld [smem:$0x3FAA]  }
0x2d: {  	s3 =	simm.s32 $0x108;
	s8 =	sld [smem:$0x3FAB]  }
0x2e: {  	s3 =	simm.s32 @!p0 $0x1082;
	s9 =	sld [smem:$0x3FAC]  }
0x2f: {  	lr =	sadd.s32 s0, s3;
	s0 =	sld [smem:$0x3FA3]  }
0x30: {  	s3 =	sld [smem:$0x3FA6]  }
0x31: {  	[smem:$0x3FAF] =	sst s10  }
0x32: {  	s10 =	sld [smem:$0x3FAD];
	_ =	sdelay $0x3  }
0x33: {  	p0 =	seq.s32 s10, $0x1;
	s10 =	sld [smem:$0x3FAF];
	_ =	sdelay $0x3  }
0x34: {  	[smem:$0x3FAF] =	sst s10  }
0x35: {  	s10 =	sld [smem:$0x3FAE];
	_ =	sdelay $0x3  }
0x36: {  	p1 =	seq.s32 s10, $0x1;
	s10 =	sld [smem:$0x3FAF];
	_ =	sdelay $0x3  }
0x37: {  	[smem:$0x3FAF] =	sst s10  }
0x38: {  	s10 =	sld [smem:$0x3FB0]  }
0x39: {  	_ = 	snop;
	(pc) =	sbr.ind lr, $3  }
0x3a: {  	_ = 	snop  }
0x3b: {  	_ = 	snop  }
0x3c: {  	p2 =	seq.s32 s10, $0x1;
	s10 =	sld [smem:$0x3FAF]  }
0x3d: {  	_ =	shalt  }
0x3e: {  	_ =	shalt  }
0x3f: {  	_ =	shalt  }
0x40: {  	_ =	shalt  }
0x41: {  	_ =	shalt  }
0x42: {  	_ =	shalt  }
0x43: {  	_ =	shalt  }
0x44: {  	_ =	shalt  }
0x45: {  	_ =	shalt  }
0x46: {  	_ =	shalt  }
0x47: {  	_ =	shalt  }
0x48: {  	_ =	shalt  }
0x49: {  	_ =	shalt  }
0x4a: {  	_ =	shalt  }
0x4b: {  	_ =	shalt  }
0x4c: {  	_ =	shalt  }
0x4d: {  	_ =	shalt  }
0x4e: {  	_ =	shalt  }
0x4f: {  	_ =	shalt  }
0x50: {  	_ =	shalt  }
0x51: {  	_ =	shalt  }
0x52: {  	_ =	shalt  }
0x53: {  	_ =	shalt  }
0x54: {  	_ =	shalt  }
0x55: {  	_ =	shalt  }
0x56: {  	_ =	shalt  }
0x57: {  	_ =	shalt  }
0x58: {  	_ =	shalt  }
0x59: {  	_ =	shalt  }
0x5a: {  	_ =	shalt  }
0x5b: {  	_ =	shalt  }
0x5c: {  	_ =	shalt  }
0x5d: {  	_ =	shalt  }
0x5e: {  	_ =	shalt  }
0x5f: {  	_ =	shalt  }
0x60: {  	_ =	shalt  }
0x61: {  	_ =	shalt  }
0x62: {  	_ =	shalt  }
0x63: {  	_ =	shalt  }
0x64: {  	_ =	shalt  }
0x65: {  	_ =	shalt  }
0x66: {  	_ =	shalt  }
0x67: {  	_ =	shalt  }
0x68: {  	_ =	shalt  }
0x69: {  	_ =	shalt  }
0x6a: {  	_ =	shalt  }
0x6b: {  	_ =	shalt  }
0x6c: {  	_ =	shalt  }
0x6d: {  	_ =	shalt  }
0x6e: {  	_ =	shalt  }
0x6f: {  	_ =	shalt  }
0x70: {  	_ =	shalt  }
0x71: {  	_ =	shalt  }
0x72: {  	_ =	shalt  }
0x73: {  	_ =	shalt  }
0x74: {  	_ =	shalt  }
0x75: {  	_ =	shalt  }
0x76: {  	_ =	shalt  }
0x77: {  	_ =	shalt  }
0x78: {  	_ =	shalt  }
0x79: {  	_ =	shalt  }
0x7a: {  	_ =	shalt  }
0x7b: {  	_ =	shalt  }
0x7c: {  	_ =	shalt  }
0x7d: {  	_ =	shalt  }
0x7e: {  	_ =	shalt  }
0x7f: {  	_ =	shalt  }
0x80: {  	_ =	shalt  }
0x81: {  	_ =	shalt  }
0x82: {  	_ =	shalt  }
0x83: {  	_ =	shalt  }
0x84: {  	_ =	shalt  }
0x85: {  	_ =	shalt  }
0x86: {  	_ =	shalt  }
0x87: {  	_ =	shalt  }
.Lfunc_end0:
.L_simem_size_0:
called_computation_lowered:
.L_overlay_start_0:
0x88: {  	s2 =	sld [smem:$0x3FD9]  }
0x89: {  	s3 =	sld [smem:$0x3FFE];
	_ =	sdelay $0x1  }
0x8a: {  	s1 =	srdreg.scid  }
0x8b: {  	s0 =	sand.u32 $0x1, s1  }
0x8c: {  	s17 =	sshll.u32 s0, $0xA;
	s2 =	sadd.s32 s3, s2  }
0x8d: {  	s2 =	sadd.s32 s2, s17  }
0x8e: {  	[smem:$0x3FBB] =	sst s2  }
0x8f: {  	_ = 	snop  }
0x90: {  	s2 =	sld [smem:$0x3FC9];
	(tm) =	ssettm $0x1  }
0x91: {  	s18 =	sld [smem:$0x3FFB];
	_ =	sdelay $0x3  }
0x92: {  	_ =	strace s18  }
0x93: {  	s3 =	sld [smem:$0x3FFC];
	_ =	sdelay $0x3  }
0x94: {  	_ =	strace s3  }
0x95: {  	s3 =	sld [smem:$0x3FFD];
	_ =	sdelay $0x3  }
0x96: {  	_ =	strace s3  }
0x97: {  	_ =	strace $0x8FFFFFFF  }
0x98: {  	s19 =	sld [smem:$0x3FDB];
	_ =	sdelay $0x1  }
0x99: {  	s4 =	simm.s32 $_scs_section_size  }
0x9a: {  	s5 =	simm.s32 $_size__tile_overlayer_lowered;
	s6 =	simm.s32 $_tile_overlayer_lowered  }
0x9b: {  	s22 =	simm.s32 $0x1BFF;
	s21 =	sshll.u32 s6, $0x1;
	s3 =	sadd.s32 s4, s19  }
0x9c: {  	s7 =	simm.s32 $0x0;
	s20 =	sshll.u32 s5, $0x1;
	s5 =	sadd.s32 s21, s3  }
0x9d: {  	[timem:s7], [sflag:s22] =	dma.local [hbm:s5], s20  }
0x9e: {  	_ =	swait.ge [sflag:s22], s20  }
0x9f: {  	s4 =	ssub.s32 $0x0, s20;
	[sflag:s22] =	ssyncset.done $0x0  }
0xa0: {  	[sflag:s22] =	ssyncadd.s32 s4;
	_ =	sdelay $0x1  }
0xa1: {  	s23 =	simm.s32 $0x1B8B  }
0xa2: {  	_ =	swait.ge [sflag:s23], $0x1  }
0xa3: {  	[sflag:s23] =	ssyncset.done $0x0  }
0xa4: {  	s25 =	simm.s32 $0x1B8E;
	s24 =	sld [smem:$0x3FFE];
	[sflag:s23] =	ssyncadd.s32 $0xFFFFFFFF  }
0xa5: {  	s26 =	simm.s32 $execute0_lowered;
	[smem:$0x3FD2] =	sst s25  }
0xa6: {  	s5 =	sshll.u32 s26, $0x1;
	_ =	strace $0x80000046;
	[dreg:$0x1] =	wrdreg $0xFFFFFFFF  }
0xa7: {  	s28 =	simm.s32 $_size_execute0_lowered;
	s3 =	sadd.s32 s3, s5;
	[dreg:$0x0] =	wrdreg $0x0  }
0xa8: {  	s5 =	sshll.u32 s28, $0x1;
	[dreg:$0x2] =	wrdreg s3  }
0xa9: {  	[dreg:$0x3] =	wrdreg s5  }
0xaa: {  	[dreg:$0x4] =	wrdreg $0xC0  }
0xab: {  	_ =	task [dreg:s7], $0x5FFFF  }
0xac: {  	[dreg:$0x1] =	wrdreg $0xFFFFFFFF  }
0xad: {  	[dreg:$0x0] =	wrdreg $0x60  }
0xae: {  	[dreg:$0x2] =	wrdreg s2  }
0xaf: {  	[dreg:$0x3] =	wrdreg s24  }
0xb0: {  	[dreg:$0x4] =	wrdreg $0x0  }
0xb1: {  	[dreg:$0x5] =	wrdreg $0x9  }
0xb2: {  	_ =	task.clear_ibuf [dreg:s7], $0x6FFFF;
	_ =	strace $0x90000046  }
0xb3: {  	s29 =	simm.s32 $0x9;
	_ =	strace $0x80000048  }
0xb4: {  	_ =	swait.ge [sflag:s29], $0x1  }
0xb5: {  	[sflag:s29] =	ssyncadd.s32 $0xFFFFFFFF  }
0xb6: {  	_ =	strace $0x90000048  }
0xb7: {  	_ =	sfence  }
0xb8: {  	s30 =	sld [smem:$0x0];
	_ =	sdelay $0x2  }
0xb9: {  	s31 =	sshll.u32 s1, $0xD;
	s1 =	sshrl.u32 s1, $0x2  }
0xba: {  	s3 =	sand.u32 $0x4000, s31;
	s1 =	sadd.s32 s1, s30  }
0xbb: {  	s0 =	sor.u32 s3, s0;
	s1 =	sshll.u32 s1, $0x11  }
0xbc: {  	s0 =	sor.u32 s1, s0  }
0xbd: {  	s0 =	sadd.s32 $0x8F2B, s0  }
0xbe: {  	[sflag:s0] =	ssyncadd.remote.s32 $0x1  }
0xbf: {  	_ =	sfence.sel $0xFFFF  }
0xc0: {  	[dreg:$0x0] =	wrdreg $0xFFFFFFFF;
	(pc) =	sbr.abs _section_cstart, $3  }
0xc1: {  	[dreg:$0x1] =	wrdreg $0xFFFFFFFF  }
0xc2: {  	_ =	task.clear_ibuf [dreg:s7], $0x2FFFF;
	_ =	strace $0x9FFFFFFF  }
0xc3: {  	(tm) =	ssettm $0x7FFFFFFF  }
tec
execute0_lowered:
.L_overlay_start_1:
0x0: {  	(tag) =	ssettag $0x1  }
0x1: {  	s1 =	rddreg [dreg:$0x0]  }
0x2: {  	s0 =	rddreg [dreg:$0x1]  }
0x3: {  	s2 =	rddreg [dreg:$0x2]  }
0x4: {  	s3 =	srdreg.scid;
	s4 =	simm.s32 $0x0;
	s9 =	stileid.u32  }
0x5: {  	s18 =	simm.s32 $0x7;
	s19 =	simm.s32 $0x13C00;
	s28 =	simm.s32 $0x4  }
0x6: {  	s29 =	simm.s32 $0x6;
	s30 =	simm.s32 $0x17E00;
	s31 =	simm.s32 $0x1  }
0x7: {  	s3 =	sand.u32 $0x1, s3;
	[smem:$0x7FF] =	sst s4;
	s6 =	smul.u32 $0x13C00, s9  }
0x8: {  	s11 =	sadd.s32 $0xE800, s0;
	s15 =	sadd.s32 $0x4800, s0;
	s21 =	smul.u32 $0x4F000, s9  }
0x9: {  	s7 =	sadd.s32 $0x18800, s0;
	s20 =	sshll.u32 s9, $0x1;
	s10 =	smul.u32 $0x5000, s9  }
0xa: {  	s23 =	sshll.u32 s9, $0x6;
	s5 =	smul.u32 $0x13C000, s3;
	s22 =	ssub.s32 $0x2, s3  }
0xb: {  	_ =	strace $0x80000047;
	[dreg:$0x4] =	wrdreg s7;
	s8 =	sshrl.u32 s22, $0x1  }
0xc: {  	s7 =	sshrl.u32 s21, $0x2;
	s21 =	simm.s32 $0x13C80;
	s5 =	sadd.s32 s6, s5  }
0xd: {  	s6 =	sor.u32 s3, s20;
	s17 =	sadd.s32 s7, s2;
	s3 =	smul.u32 $0x2800, s3  }
0xe: {  	s20 =	simm.s32 $0x13D00;
	s5 =	sshrl.u32 s5, $0x3;
	s6 =	smul.u32 $0x2800, s6  }
0xf: {  	s17 =	sshrl.u32 s17, $0x3;
	s0 =	sadd.s32 s5, s0;
	s5 =	ssub.s32 s22, s8  }
0x10: {  	s3 =	sadd.s32 s3, s10;
	s22 =	simm.s32 $0x13D80;
	s24 =	sshrl.u32 s6, $0x3  }
0x11: {  	s6 =	sor.u32 $0x1C07, s23;
	s0 =	sadd.s32 $0x1B000, s0;
	s25 =	sor.u32 $0x180, s3  }
0x12: {  	s5 =	smax.u32 s5, $0x1;
	s3 =	sor.u32 $0x100, s3;
	s23 =	simm.s32 $0x3  }
0x13: {  	s7 =	sadd.s32 s11, s24;
	s12 =	sor.u32 $0x10, s24;
	[dreg:$0x5] =	wrdreg s0  }
0x14: {  	s8 =	sadd.s32 s15, s24;
	[dreg:$0x6] =	wrdreg s5;
	s0 =	sshrl.u32 s25, $0x3  }
0x15: {  	s26 =	sshrl.u32 s3, $0x3;
	s24 =	simm.s32 $0x5;
	s25 =	simm.s32 $0x80  }
0x16: {  	s3 =	simm.s32 $0x0;
	s9 =	sadd.s32 s11, s12;
	s10 =	sadd.s32 s15, s12  }
0x17: {  	s13 =	sadd.s32 s0, s15;
	s14 =	sadd.s32 s0, s11;
	s15 =	sadd.s32 s26, s15  }
0x18: {  	s16 =	sadd.s32 s26, s11;
	s26 =	simm.s32 $0x13E00;
	s0 =	simm.s32 $0x2  }
.LBB2_1:
0x19: {  	s5 =	rddreg [dreg:$0x4]  }
0x1a: {  	[spmem:s17], [sflag:s6] =	dma.local [hbm:s5], $0x2780  }
0x1b: {  	_ =	swait.ge [sflag:s18], $0x2780  }
0x1c: {  	[sflag:s18] =	ssyncset.done $0x0  }
0x1d: {  	[sflag:s18] =	ssyncadd.s32 $0xFFFFD880  }
0x1e: {  	[tilespmem:s19], [sflag:$0x3] =	stream.linear.gather [hbm4b:s7+s4], $0x80, $0x38;
	[tilespmem:$0x1BE00] =	vst v63  }
0x1f: {  	_ = 	snop  }
0x20: {  	[tilespmem:s20], [sflag:$0x5] =	stream.linear.gather [hbm4b:s8+s4], $0x80, $0x38;
	[tilespmem:$0x1BE00] =	vst v63  }
0x21: {  	_ = 	snop  }
0x22: {  	[tilespmem:s21], [sflag:$0x4] =	stream.linear.gather [hbm4b:s9+s4], $0x80, $0x38;
	[tilespmem:$0x1BE00] =	vst v63  }
0x23: {  	_ = 	snop  }
0x24: {  	[tilespmem:s22], [sflag:$0x6] =	stream.linear.gather [hbm4b:s10+s4], $0x80, $0x38;
	[tilespmem:$0x1BE00] =	vst v63  }
0x25: {  	_ =	swait.ge [sflag:s23], $0x80  }
0x26: {  	[sflag:s23] =	ssyncset.done $0x0  }
0x27: {  	[sflag:s23] =	ssyncadd.s32 $0xFFFFFF80  }
0x28: {  	_ =	swait.ge [sflag:s24], $0x80  }
0x29: {  	[sflag:s24] =	ssyncset.done $0x0  }
0x2a: {  	[sflag:s24] =	ssyncadd.s32 $0xFFFFFF80  }
0x2b: {  	[tilespmem:s26], [sflag:$0x1] =	stream.indirect.gather [hbm4b:s1+s25], $0x80, s19, s25, $0xb8;
	[tilespmem:$0x1BE00] =	vst v63  }
0x2c: {  	[bflag:$0x0] =	sbarrier.arrive $0xFFFF  }
0x2d: {  	_ =	swait.ge [sflag:s28], $0x80  }
0x2e: {  	[sflag:s28] =	ssyncset.done $0x0  }
0x2f: {  	[sflag:s28] =	ssyncadd.s32 $0xFFFFFF80  }
0x30: {  	_ =	swait.ge [sflag:s29], $0x80  }
0x31: {  	[sflag:s29] =	ssyncset.done $0x0  }
0x32: {  	[sflag:s29] =	ssyncadd.s32 $0xFFFFFF80  }
0x33: {  	[tilespmem:s30], [sflag:$0x2] =	stream.indirect.gather [hbm4b:s1+s25], $0x80, s21, s25, $0xb8;
	[tilespmem:$0x1BE00] =	vst v63  }
0x34: {  	_ =	swait.ge [sflag:s31], $0x4000  }
0x35: {  	[sflag:s31] =	ssyncset.done $0x0  }
0x36: {  	[sflag:s31] =	ssyncadd.s32 $0xFFFFC000  }
0x37: {  	[spmem:s2] =	stream.indirect.scatter.add.f32 [tilespmem:s26], [sflag:$0x7], $0x80, s20, s25, $0xb8;
	[tilespmem:$0x1BE00] =	vst v63  }
0x38: {  	_ =	swait.ge [sflag:s18], $0x4000  }
0x39: {  	[sflag:s18] =	ssyncset.done $0x0  }
0x3a: {  	s12 =	sadd.s32 $0x0, s16;
	[sflag:s18] =	ssyncadd.s32 $0xFFFFC000  }
0x3b: {  	[tilespmem:s19], [sflag:$0x3] =	stream.linear.gather [hbm4b:s12+s4], $0x80, $0x38;
	[tilespmem:$0x1BE00] =	vst v63  }
0x3c: {  	s11 =	sadd.s32 $0x0, s15  }
0x3d: {  	[tilespmem:s20], [sflag:$0x5] =	stream.linear.gather [hbm4b:s11+s4], $0x80, $0x38;
	[tilespmem:$0x1BE00] =	vst v63  }
0x3e: {  	_ =	swait.ge [sflag:s23], $0x80  }
0x3f: {  	[sflag:s23] =	ssyncset.done $0x0  }
0x40: {  	[sflag:s23] =	ssyncadd.s32 $0xFFFFFF80  }
0x41: {  	_ =	swait.ge [sflag:s24], $0x80  }
0x42: {  	[sflag:s24] =	ssyncset.done $0x0  }
0x43: {  	[sflag:s24] =	ssyncadd.s32 $0xFFFFFF80  }
0x44: {  	[tilespmem:s26], [sflag:$0x1] =	stream.indirect.gather [hbm4b:s1+s25], $0x80, s19, s25, $0xb8;
	[tilespmem:$0x1BE00] =	vst v63  }
0x45: {  	_ =	swait.ge [sflag:s0], $0x4000  }
0x46: {  	[sflag:s0] =	ssyncset.done $0x0  }
0x47: {  	[sflag:s0] =	ssyncadd.s32 $0xFFFFC000  }
0x48: {  	[spmem:s2] =	stream.indirect.scatter.add.f32 [tilespmem:s30], [sflag:$0x7], $0x80, s22, s25, $0xb8;
	[tilespmem:$0x1BE00] =	vst v63  }
0x49: {  	_ =	swait.ge [sflag:s18], $0x4000  }
0x4a: {  	s5 =	simm.s32 $0x20;
	[sflag:s18] =	ssyncset.done $0x0  }
0x4b: {  	s12 =	sadd.s32 $0x0, s14;
	s11 =	sadd.s32 $0x0, s13;
	[sflag:s18] =	ssyncadd.s32 $0xFFFFC000  }
0x4c: {  	[tilespmem:s21], [sflag:$0x4] =	stream.linear.gather [hbm4b:s12+s4], $0x80, $0x38;
	[tilespmem:$0x1BE00] =	vst v63  }
.LBB2_2:
0x4d: {  	[tilespmem:s22], [sflag:$0x6] =	stream.linear.gather [hbm4b:s11+s4], $0x80, $0x38;
	[tilespmem:$0x1BE00] =	vst v63  }
0x4e: {  	s11 =	smov.u32 s5  }
0x4f: {  	p0 =	sne.s32 s5, $0x4C0;
	s5 =	sadd.s32 $0x20, s5;
	_ =	swait.ge [sflag:s28], $0x80  }
0x50: {  	[sflag:s28] =	ssyncset.done $0x0  }
0x51: {  	[sflag:s28] =	ssyncadd.s32 $0xFFFFFF80  }
0x52: {  	_ =	swait.ge [sflag:s29], $0x80  }
0x53: {  	[sflag:s29] =	ssyncset.done $0x0  }
0x54: {  	[sflag:s29] =	ssyncadd.s32 $0xFFFFFF80  }
0x55: {  	[tilespmem:s30], [sflag:$0x2] =	stream.indirect.gather [hbm4b:s1+s25], $0x80, s21, s25, $0xb8;
	[tilespmem:$0x1BE00] =	vst v63  }
0x56: {  	_ =	swait.ge [sflag:s31], $0x4000  }
0x57: {  	[sflag:s31] =	ssyncset.done $0x0  }
0x58: {  	[sflag:s31] =	ssyncadd.s32 $0xFFFFC000  }
0x59: {  	[spmem:s2] =	stream.indirect.scatter.add.f32 [tilespmem:s26], [sflag:$0x7], $0x80, s20, s25, $0xb8;
	[tilespmem:$0x1BE00] =	vst v63  }
0x5a: {  	_ =	swait.ge [sflag:s18], $0x4000  }
0x5b: {  	[sflag:s18] =	ssyncset.done $0x0  }
0x5c: {  	s12 =	sadd.s32 s11, s16;
	[sflag:s18] =	ssyncadd.s32 $0xFFFFC000  }
0x5d: {  	[tilespmem:s19], [sflag:$0x3] =	stream.linear.gather [hbm4b:s12+s4], $0x80, $0x38;
	[tilespmem:$0x1BE00] =	vst v63  }
0x5e: {  	s12 =	sadd.s32 s11, s15  }
0x5f: {  	[tilespmem:s20], [sflag:$0x5] =	stream.linear.gather [hbm4b:s12+s4], $0x80, $0x38;
	[tilespmem:$0x1BE00] =	vst v63  }
0x60: {  	_ =	swait.ge [sflag:s23], $0x80  }
0x61: {  	[sflag:s23] =	ssyncset.done $0x0  }
0x62: {  	[sflag:s23] =	ssyncadd.s32 $0xFFFFFF80  }
0x63: {  	_ =	swait.ge [sflag:s24], $0x80  }
0x64: {  	[sflag:s24] =	ssyncset.done $0x0  }
0x65: {  	[sflag:s24] =	ssyncadd.s32 $0xFFFFFF80  }
0x66: {  	[tilespmem:s26], [sflag:$0x1] =	stream.indirect.gather [hbm4b:s1+s25], $0x80, s19, s25, $0xb8;
	[tilespmem:$0x1BE00] =	vst v63  }
0x67: {  	_ =	swait.ge [sflag:s0], $0x4000  }
0x68: {  	[sflag:s0] =	ssyncset.done $0x0  }
0x69: {  	[sflag:s0] =	ssyncadd.s32 $0xFFFFC000  }
0x6a: {  	[spmem:s2] =	stream.indirect.scatter.add.f32 [tilespmem:s30], [sflag:$0x7], $0x80, s22, s25, $0xb8;
	[tilespmem:$0x1BE00] =	vst v63  }
.Ltmp0:
0x6b: {  	_ =	swait.ge [sflag:s18], $0x4000;
	(pc) =	sbr.rel @p0 .LBB2_2-.Ltmp0, $4  }
0x6c: {  	[sflag:s18] =	ssyncset.done $0x0  }
0x6d: {  	s12 =	sadd.s32 s11, s14;
	[sflag:s18] =	ssyncadd.s32 $0xFFFFC000  }
0x6e: {  	[tilespmem:s21], [sflag:$0x4] =	stream.linear.gather [hbm4b:s12+s4], $0x80, $0x38;
	[tilespmem:$0x1BE00] =	vst v63  }
0x6f: {  	s11 =	sadd.s32 s11, s13  }
0x70: {  	[tilespmem:s22], [sflag:$0x6] =	stream.linear.gather [hbm4b:s11+s4], $0x80, $0x38;
	[tilespmem:$0x1BE00] =	vst v63  }
0x71: {  	_ =	swait.ge [sflag:s28], $0x80  }
0x72: {  	[sflag:s28] =	ssyncset.done $0x0  }
0x73: {  	[sflag:s28] =	ssyncadd.s32 $0xFFFFFF80  }
0x74: {  	_ =	swait.ge [sflag:s29], $0x80  }
0x75: {  	[sflag:s29] =	ssyncset.done $0x0  }
0x76: {  	[sflag:s29] =	ssyncadd.s32 $0xFFFFFF80  }
0x77: {  	[tilespmem:s30], [sflag:$0x2] =	stream.indirect.gather [hbm4b:s1+s25], $0x80, s21, s25, $0xb8;
	[tilespmem:$0x1BE00] =	vst v63  }
0x78: {  	_ =	swait.ge [sflag:s31], $0x4000  }
0x79: {  	[sflag:s31] =	ssyncset.done $0x0  }
0x7a: {  	[sflag:s31] =	ssyncadd.s32 $0xFFFFC000  }
0x7b: {  	[spmem:s2] =	stream.indirect.scatter.add.f32 [tilespmem:s26], [sflag:$0x7], $0x80, s20, s25, $0xb8;
	[tilespmem:$0x1BE00] =	vst v63  }
0x7c: {  	_ =	swait.ge [sflag:s18], $0x4000  }
0x7d: {  	[sflag:s18] =	ssyncset.done $0x0  }
0x7e: {  	[sflag:s18] =	ssyncadd.s32 $0xFFFFC000  }
0x7f: {  	[tilespmem:s19], [sflag:$0x3] =	stream.linear.gather [hbm4b:s7+s4], $0x80, $0x38;
	[tilespmem:$0x1BE00] =	vst v63  }
0x80: {  	_ = 	snop  }
0x81: {  	[tilespmem:s20], [sflag:$0x5] =	stream.linear.gather [hbm4b:s8+s4], $0x80, $0x38;
	[tilespmem:$0x1BE00] =	vst v63  }
0x82: {  	_ =	swait.ge [sflag:s23], $0x80  }
0x83: {  	[sflag:s23] =	ssyncset.done $0x0  }
0x84: {  	[sflag:s23] =	ssyncadd.s32 $0xFFFFFF80  }
0x85: {  	_ =	swait.ge [sflag:s24], $0x80  }
0x86: {  	[sflag:s24] =	ssyncset.done $0x0  }
0x87: {  	[sflag:s24] =	ssyncadd.s32 $0xFFFFFF80  }
0x88: {  	[tilespmem:s26], [sflag:$0x1] =	stream.indirect.gather [hbm4b:s1+s25], $0x80, s19, s25, $0xb8;
	[tilespmem:$0x1BE00] =	vst v63  }
0x89: {  	_ =	swait.ge [sflag:s0], $0x4000  }
0x8a: {  	[sflag:s0] =	ssyncset.done $0x0  }
0x8b: {  	[sflag:s0] =	ssyncadd.s32 $0xFFFFC000  }
0x8c: {  	[spmem:s2] =	stream.indirect.scatter.add.f32 [tilespmem:s30], [sflag:$0x7], $0x80, s22, s25, $0xb8;
	[tilespmem:$0x1BE00] =	vst v63  }
0x8d: {  	_ =	swait.ge [sflag:s18], $0x4000  }
0x8e: {  	[sflag:s18] =	ssyncset.done $0x0  }
0x8f: {  	[sflag:s18] =	ssyncadd.s32 $0xFFFFC000  }
0x90: {  	[tilespmem:s21], [sflag:$0x4] =	stream.linear.gather [hbm4b:s9+s4], $0x80, $0x38;
	[tilespmem:$0x1BE00] =	vst v63  }
0x91: {  	_ = 	snop  }
0x92: {  	[tilespmem:s22], [sflag:$0x6] =	stream.linear.gather [hbm4b:s10+s4], $0x80, $0x38;
	[tilespmem:$0x1BE00] =	vst v63  }
0x93: {  	_ =	swait.ge [sflag:s31], $0x4000  }
0x94: {  	[sflag:s31] =	ssyncset.done $0x0  }
0x95: {  	[sflag:s31] =	ssyncadd.s32 $0xFFFFC000  }
0x96: {  	_ =	swait.ge [sflag:s28], $0x80  }
0x97: {  	[sflag:s28] =	ssyncset.done $0x0  }
0x98: {  	[sflag:s28] =	ssyncadd.s32 $0xFFFFFF80  }
0x99: {  	_ =	swait.ge [sflag:s29], $0x80  }
0x9a: {  	[sflag:s29] =	ssyncset.done $0x0  }
0x9b: {  	[sflag:s29] =	ssyncadd.s32 $0xFFFFFF80  }
0x9c: {  	[bflag:$0x0] =	sbarrier.arrive $0xFFFF  }
0x9d: {  	s5 =	rddreg [dreg:$0x5]  }
0x9e: {  	[hbm:s5], [sflag:s6] =	dma.local [spmem:s17], $0x2780  }
0x9f: {  	_ =	swait.ge [sflag:s18], $0x2780  }
0xa0: {  	s3 =	sadd.s32 $0x1, s3;
	s12 =	rddreg [dreg:$0x6]  }
0xa1: {  	p0 =	sne.s32 s3, s12  }
.Ltmp1:
0xa2: {  	_ = 	snop;
	(pc) =	sbr.rel @p0 .LBB2_1-.Ltmp1, $3  }
0xa3: {  	_ =	sdelay $0x1  }
0xa4: {  	[sflag:s18] =	ssyncset.done $0x0  }
0xa5: {  	[sflag:s18] =	ssyncadd.s32 $0xFFFFD880  }
0xa6: {  	_ =	sfence.sel $0x180000  }
0xa7: {  	[bflag:$0x0] =	sbarrier.arrive $0xFFFF  }
0xa8: {  	_ =	strace $0x90000047  }
0xa9: {  	s0 =	stileid.u32;
	[bflag:$0x2] =	sbarrier.arrive $0xFFFF  }
0xaa: {  	p0 =	sne.s32 s0, $0x0;
	s0 =	rddreg [dreg:$0x3]  }
0xab: {  	s0 =	sadd.s32 @!p0 $0x100000, s0  }
0xac: {  	[sflag:s0] =	ssyncadd.tile.s32 @!p0 $0x1;
	_ =	shalt  }
.Lfunc_end2:
_tile_overlayer_lowered:
.L_overlay_start_2:
0xad: {  	(tag) =	ssettag $0x2  }
0xae: {  	s0 =	rddreg [dreg:$0x0];
	s2 =	stileid.u32  }
0xaf: {  	s1 =	rddreg [dreg:$0x1];
	p0 =	sne.s32 s2, $0x0  }
0xb0: {  	s3 =	rddreg [dreg:$0x2];
	[bflag:$0x3] =	sbarrier.arrive $0xFFFF;
	s2 =	simm.s32 @!p0 $0x1C07  }
0xb1: {  	[timem:s3], [sflag:s2] =	dma.local @!p0 [hbm:s0], s1  }
0xb2: {  	s0 =	simm.s32 @!p0 $0x7  }
0xb3: {  	_ =	swait.ge @!p0 [sflag:s0], s1  }
0xb4: {  	s1 =	ssub.s32 @!p0 $0x0, s1;
	[sflag:s0] =	ssyncset.done @!p0 $0x0  }
0xb5: {  	[sflag:s0] =	ssyncadd.s32 @!p0 s1  }
0xb6: {  	[bflag:$0x3] =	sbarrier.arrive $0xFFFF  }
0xb7: {  	_ =	shalt  }

</sc_bundles>
